<compile_context>
chip_gen: v7x
topology: tpu7x:2x2x1
jax: 0.10.2.dev20260603
libtpu: 0.0.44.dev20260713+nightly
codegen_flags: <defaults>
</compile_context>

<pallas_src>
import functools

import jax
import jax.numpy as jnp
from jax import lax
from jax.experimental import pallas as pl
from jax.experimental.pallas import tpu as pltpu
from jax.experimental.pallas import tpu_sc as plsc

N = 10000
NPAD = 10240
E = 320000
NC = 2
NS = 16
NW = NC * NS
CHUNK = 112
NCHUNK = 90
EPW = NCHUNK * CHUNK
EPAD = NW * EPW - E
RPS = NPAD // NS


def _seg_sum_partials(y, src3, dst3, zrows):
    D = y.shape[1]
    mesh = plsc.VectorSubcoreMesh(core_axis_name="c", subcore_axis_name="s")

    @functools.partial(
        pl.kernel,
        out_type=jax.ShapeDtypeStruct((NC, NPAD, D), jnp.float32),
        mesh=mesh,
        scratch_types=[
            pltpu.VMEM((NCHUNK, CHUNK), jnp.int32),
            pltpu.VMEM((NCHUNK, CHUNK), jnp.int32),
            pltpu.VMEM((CHUNK, D), jnp.float32),
            pltpu.VMEM_SHARED((NPAD, D), jnp.float32),
        ],
    )
    def k(y_hbm, src_hbm, dst_hbm, z_hbm, out_hbm, src_v, dst_v, rows_v, acc):
        cid = lax.axis_index("c")
        sid = lax.axis_index("s")
        wid = cid * NS + sid

        pltpu.sync_copy(z_hbm, acc.at[pl.ds(sid * RPS, RPS)])
        pltpu.sync_copy(src_hbm.at[wid], src_v)
        pltpu.sync_copy(dst_hbm.at[wid], dst_v)
        plsc.subcore_barrier()

        @pl.loop(0, NCHUNK)
        def _(ci):
            pltpu.sync_copy(y_hbm.at[src_v.at[ci]], rows_v)
            pltpu.sync_copy(rows_v, acc.at[dst_v.at[ci]], add=True)

        plsc.subcore_barrier()
        pltpu.sync_copy(acc.at[pl.ds(sid * RPS, RPS)],
                        out_hbm.at[cid, pl.ds(sid * RPS, RPS)])

    return k(y, src3, dst3, zrows)


def _matmul(x, W):
    n, K = x.shape
    Do = W.shape[1]
    BN = 1000

    def body(x_ref, w_ref, o_ref):
        o_ref[...] = jnp.dot(x_ref[...], w_ref[...],
                             preferred_element_type=jnp.float32)

    return pl.pallas_call(
        body,
        grid=(n // BN,),
        in_specs=[pl.BlockSpec((BN, K), lambda i: (i, 0)),
                  pl.BlockSpec((K, Do), lambda i: (0, 0))],
        out_specs=pl.BlockSpec((BN, Do), lambda i: (i, 0)),
        out_shape=jax.ShapeDtypeStruct((n, Do), jnp.float32),
    )(x, W)


def _combine_matmul(y, p, b, eps, W):
    n, D = y.shape
    Do = W.shape[1]
    BN = 1000

    def body(e_ref, y_ref, p0_ref, p1_ref, w_ref, b_ref, o_ref):
        s = 1.0 + e_ref[0, 0]
        z = s * y_ref[...] + p0_ref[0] + p1_ref[0]
        o_ref[...] = jnp.maximum(
            jnp.dot(z, w_ref[...], preferred_element_type=jnp.float32)
            + b_ref[...], 0.0)

    return pl.pallas_call(
        body,
        grid=(n // BN,),
        in_specs=[pl.BlockSpec(memory_space=pltpu.SMEM),
                  pl.BlockSpec((BN, D), lambda i: (i, 0)),
                  pl.BlockSpec((1, BN, D), lambda i: (0, i, 0)),
                  pl.BlockSpec((1, BN, D), lambda i: (1, i, 0)),
                  pl.BlockSpec((D, Do), lambda i: (0, 0)),
                  pl.BlockSpec((1, Do), lambda i: (0, 0))],
        out_specs=pl.BlockSpec((BN, Do), lambda i: (i, 0)),
        out_shape=jax.ShapeDtypeStruct((n, Do), jnp.float32),
    )(eps.reshape(1, 1), y, p, p, W, b.reshape(1, Do))


def _combine_relu(y, p, b, eps):
    n, D = y.shape
    BN = 1000

    def body(e_ref, y_ref, p0_ref, p1_ref, b_ref, o_ref):
        s = 1.0 + e_ref[0, 0]
        o_ref[...] = jnp.maximum(s * y_ref[...] + p0_ref[0] + p1_ref[0]
                                 + b_ref[...], 0.0)

    return pl.pallas_call(
        body,
        grid=(n // BN,),
        in_specs=[pl.BlockSpec(memory_space=pltpu.SMEM),
                  pl.BlockSpec((BN, D), lambda i: (i, 0)),
                  pl.BlockSpec((1, BN, D), lambda i: (0, i, 0)),
                  pl.BlockSpec((1, BN, D), lambda i: (1, i, 0)),
                  pl.BlockSpec((1, D), lambda i: (0, 0))],
        out_specs=pl.BlockSpec((BN, D), lambda i: (i, 0)),
        out_shape=jax.ShapeDtypeStruct((n, D), jnp.float32),
    )(eps.reshape(1, 1), y, p, p, b.reshape(1, D))


def _final_softmax(h, p, W, b, eps):
    n, D = h.shape
    Do = W.shape[1]
    BN = 1000

    def body(e_ref, h_ref, p0_ref, p1_ref, w_ref, b_ref, lo_ref, pr_ref):
        s = 1.0 + e_ref[0, 0]
        z = s * h_ref[...] + p0_ref[0] + p1_ref[0]
        l = jnp.maximum(jnp.dot(z, w_ref[...],
                                preferred_element_type=jnp.float32)
                        + b_ref[...], 0.0)
        lo_ref[...] = l
        m = jnp.max(l, axis=-1, keepdims=True)
        ex = jnp.exp(l - m)
        pr_ref[...] = ex / jnp.sum(ex, axis=-1, keepdims=True)

    return pl.pallas_call(
        body,
        grid=(n // BN,),
        in_specs=[pl.BlockSpec(memory_space=pltpu.SMEM),
                  pl.BlockSpec((BN, D), lambda i: (i, 0)),
                  pl.BlockSpec((1, BN, D), lambda i: (0, i, 0)),
                  pl.BlockSpec((1, BN, D), lambda i: (1, i, 0)),
                  pl.BlockSpec((D, Do), lambda i: (0, 0)),
                  pl.BlockSpec((1, Do), lambda i: (0, 0))],
        out_specs=[pl.BlockSpec((BN, Do), lambda i: (i, 0)),
                   pl.BlockSpec((BN, Do), lambda i: (i, 0))],
        out_shape=[jax.ShapeDtypeStruct((n, Do), jnp.float32),
                   jax.ShapeDtypeStruct((n, Do), jnp.float32)],
    )(eps.reshape(1, 1), h, p, p, W, b.reshape(1, Do))


def kernel(x, edge_index, W1, b1, eps1, W2, b2, eps2, W3, b3, eps3):
    pad_src = jnp.zeros((EPAD,), jnp.int32)
    pad_dst = jnp.full((EPAD,), N, jnp.int32)
    src3 = jnp.concatenate([edge_index[0], pad_src]).reshape(NW, NCHUNK, CHUNK)
    dst3 = jnp.concatenate([edge_index[1], pad_dst]).reshape(NW, NCHUNK, CHUNK)
    z128 = jnp.zeros((RPS, 128), jnp.float32)

    p1 = _seg_sum_partials(x, src3, dst3, z128)
    h1 = _combine_matmul(x, p1, b1, eps1, W1)
    p2 = _seg_sum_partials(h1, src3, dst3, z128)
    h2 = _combine_matmul(h1, p2, b2, eps2, W2)
    p3 = _seg_sum_partials(h2, src3, dst3, z128)
    logits, probs = _final_softmax(h2, p3, W3, b3, eps3)
    return (logits, probs)

# --- scband reference (transcript-rebuilt; emitter-appended) ---
"""Pipeline reference for scband-ginnet-nc-33200097198350 (READ-ONLY COPY).

The authoritative reference and input builder live on the scoring server;
editing this copy changes nothing except your own understanding.
"""

import jax, jax.numpy as jnp
import numpy as np

N_NODES = 10000
N_EDGES = 320000
D_IN = 128
LATENT = [128, 128, 64]


def setup_inputs(seed: int = 0) -> dict:
    key = jax.random.key(seed)
    ks = jax.random.split(key, 10)
    x = jax.random.normal(ks[0], (N_NODES, D_IN), dtype=jnp.float32)
    edge_index = jax.random.randint(ks[1], (2, N_EDGES), 0, N_NODES, dtype=jnp.int64 if jax.config.jax_enable_x64 else jnp.int32).astype(jnp.int32)
    # GIN layer 1: Linear(128 -> 128)
    W1 = jax.random.normal(ks[2], (D_IN, LATENT[0]), dtype=jnp.float32) * 0.05
    b1 = jnp.zeros((LATENT[0],), dtype=jnp.float32)
    eps1 = jnp.zeros((), dtype=jnp.float32)
    # GIN layer 2: Linear(128 -> 128)
    W2 = jax.random.normal(ks[3], (LATENT[0], LATENT[1]), dtype=jnp.float32) * 0.05
    b2 = jnp.zeros((LATENT[1],), dtype=jnp.float32)
    eps2 = jnp.zeros((), dtype=jnp.float32)
    # GIN layer 3: Linear(128 -> 64)
    W3 = jax.random.normal(ks[4], (LATENT[1], LATENT[2]), dtype=jnp.float32) * 0.05
    b3 = jnp.zeros((LATENT[2],), dtype=jnp.float32)
    eps3 = jnp.zeros((), dtype=jnp.float32)
    return {"x": x, "edge_index": edge_index, "W1": W1, "b1": b1, "eps1": eps1,
            "W2": W2, "b2": b2, "eps2": eps2, "W3": W3, "b3": b3, "eps3": eps3}


def _gin_conv(x, src, dst, W, b, eps):
    # PyG GINConv: nn((1+eps)*x + sum_{j in N(i)} x_j); nn = Linear + ReLU
    msgs = x[src]  # gather (memory-bound)
    agg = jax.ops.segment_sum(msgs, dst, num_segments=N_NODES)  # scatter-add
    h = (1.0 + eps) * x + agg
    return jax.nn.relu(h @ W + b)


def reference(x, edge_index, W1, b1, eps1, W2, b2, eps2, W3, b3, eps3):
    src = edge_index[0]
    dst = edge_index[1]
    # layer 0 (emb_normlize = False) followed by gnn_non_linear ReLU
    h = _gin_conv(x, src, dst, W1, b1, eps1)
    h = jax.nn.relu(h)
    # layer 1
    h = _gin_conv(h, src, dst, W2, b2, eps2)
    h = jax.nn.relu(h)
    # last layer -> logits
    logits = _gin_conv(h, src, dst, W3, b3, eps3)
    probs = jax.nn.softmax(logits, axis=-1)
    return (logits, probs)

if __name__ == "__main__":
    import jax
    _d = setup_inputs()
    print(jax.jit(kernel)(*tuple(_d.values())))

</pallas_src>

<mosaic_0001>
#map = affine_map<(d0, d1) -> (0, 0)>
#map1 = affine_map<(d0, d1) -> (0, 0, 0)>
module attributes {stable_mosaic.version = 14 : i64} {
  func.func @k(%arg0: i32, %arg1: i32, %arg2: memref<10000x128xf32, #tpu.memory_space<hbm>>, %arg3: memref<32x90x112xi32, #tpu.memory_space<hbm>>, %arg4: memref<32x90x112xi32, #tpu.memory_space<hbm>>, %arg5: memref<640x128xf32, #tpu.memory_space<hbm>>, %arg6: memref<2x10240x128xf32, #tpu.memory_space<hbm>>, %arg7: memref<90x112xi32, #tpu.memory_space<vmem>>, %arg8: memref<90x112xi32, #tpu.memory_space<vmem>>, %arg9: memref<112x128xf32, #tpu.memory_space<vmem>>, %arg10: memref<10240x128xf32, #tpu.memory_space<vmem_shared>>) attributes {dimension_semantics = [#tpu.dimension_semantics<core_parallel>, #tpu.dimension_semantics<subcore_parallel>], iteration_bounds = array<i64: 2, 16>, scalar_prefetch = 0 : i64, scratch_operands = 4 : i64, tpu.core_type = #tpu.core_type<sc_vector_subcore>, window_params = [{transform_indices = #map}, {transform_indices = #map1}, {transform_indices = #map1}, {transform_indices = #map}, {transform_indices = #map1}]} {
    %mul3A = arith.constant 16 : i32
    %mul3A_0 = arith.muli %arg0, %mul3A : i32
    %add3A = arith.addi %mul3A_0, %arg1 : i32
    %mul3A_1 = arith.constant 640 : i32
    %mul3A_2 = arith.muli %arg1, %mul3A_1 : i32
    "tpu.region"() ({
      %run_scoped3A = tpu.sem_alloc : memref<!tpu.dma_semaphore, #tpu.memory_space<semaphore_mem>>
      %dma_start3A = arith.constant 0 : i32
      %dma_start3A_12 = tpu.memref_slice %arg10[%mul3A_2, %dma_start3A] : memref<10240x128xf32, #tpu.memory_space<vmem_shared>> -> memref<640x128xf32, #tpu.memory_space<vmem_shared>>
      tpu.enqueue_dma source(%arg5 : memref<640x128xf32, #tpu.memory_space<hbm>>) target(%dma_start3A_12 : memref<640x128xf32, #tpu.memory_space<vmem_shared>>) target_semaphore(%run_scoped3A : memref<!tpu.dma_semaphore, #tpu.memory_space<semaphore_mem>>)
      %dma_wait3A = arith.constant 0 : i32
      %dma_wait3A_13 = tpu.memref_slice %arg10[%mul3A_2, %dma_wait3A] : memref<10240x128xf32, #tpu.memory_space<vmem_shared>> -> memref<640x128xf32, #tpu.memory_space<vmem_shared>>
      tpu.wait_dma2 semaphore(%run_scoped3A : memref<!tpu.dma_semaphore, #tpu.memory_space<semaphore_mem>>) src(%arg5 : memref<640x128xf32, #tpu.memory_space<hbm>>) dst(%dma_wait3A_13 : memref<640x128xf32, #tpu.memory_space<vmem_shared>>)
      tpu.yield
    }) : () -> ()
    "tpu.region"() ({
      %run_scoped3A = tpu.sem_alloc : memref<!tpu.dma_semaphore, #tpu.memory_space<semaphore_mem>>
      %dma_start3A = arith.constant 0 : i32
      %dma_start3A_12 = arith.constant 0 : i32
      %dma_start3A_13 = tpu.memref_slice %arg3[%add3A, %dma_start3A, %dma_start3A_12] : memref<32x90x112xi32, #tpu.memory_space<hbm>> -> memref<1x90x112xi32, #tpu.memory_space<hbm>>
      %dma_start3A_14 = tpu.memref_squeeze %dma_start3A_13 : memref<1x90x112xi32, #tpu.memory_space<hbm>> -> memref<90x112xi32, #tpu.memory_space<hbm>>
      %dma_start3A_15 = arith.constant 0 : i32
      %dma_start3A_16 = arith.constant 0 : i32
      %dma_start3A_17 = tpu.memref_slice %arg3[%add3A, %dma_start3A_15, %dma_start3A_16] : memref<32x90x112xi32, #tpu.memory_space<hbm>> -> memref<1x90x112xi32, #tpu.memory_space<hbm>>
      %dma_start3A_18 = tpu.memref_squeeze %dma_start3A_17 : memref<1x90x112xi32, #tpu.memory_space<hbm>> -> memref<90x112xi32, #tpu.memory_space<hbm>>
      tpu.enqueue_dma source(%dma_start3A_18 : memref<90x112xi32, #tpu.memory_space<hbm>>) target(%arg7 : memref<90x112xi32, #tpu.memory_space<vmem>>) target_semaphore(%run_scoped3A : memref<!tpu.dma_semaphore, #tpu.memory_space<semaphore_mem>>)
      %dma_wait3A = arith.constant 0 : i32
      %dma_wait3A_19 = arith.constant 0 : i32
      %dma_wait3A_20 = tpu.memref_slice %arg3[%add3A, %dma_wait3A, %dma_wait3A_19] : memref<32x90x112xi32, #tpu.memory_space<hbm>> -> memref<1x90x112xi32, #tpu.memory_space<hbm>>
      %dma_wait3A_21 = tpu.memref_squeeze %dma_wait3A_20 : memref<1x90x112xi32, #tpu.memory_space<hbm>> -> memref<90x112xi32, #tpu.memory_space<hbm>>
      %dma_wait3A_22 = arith.constant 0 : i32
      %dma_wait3A_23 = arith.constant 0 : i32
      %dma_wait3A_24 = tpu.memref_slice %arg3[%add3A, %dma_wait3A_22, %dma_wait3A_23] : memref<32x90x112xi32, #tpu.memory_space<hbm>> -> memref<1x90x112xi32, #tpu.memory_space<hbm>>
      %dma_wait3A_25 = tpu.memref_squeeze %dma_wait3A_24 : memref<1x90x112xi32, #tpu.memory_space<hbm>> -> memref<90x112xi32, #tpu.memory_space<hbm>>
      tpu.wait_dma2 semaphore(%run_scoped3A : memref<!tpu.dma_semaphore, #tpu.memory_space<semaphore_mem>>) src(%dma_wait3A_25 : memref<90x112xi32, #tpu.memory_space<hbm>>) dst(%arg7 : memref<90x112xi32, #tpu.memory_space<vmem>>)
      tpu.yield
    }) : () -> ()
    "tpu.region"() ({
      %run_scoped3A = tpu.sem_alloc : memref<!tpu.dma_semaphore, #tpu.memory_space<semaphore_mem>>
      %dma_start3A = arith.constant 0 : i32
      %dma_start3A_12 = arith.constant 0 : i32
      %dma_start3A_13 = tpu.memref_slice %arg4[%add3A, %dma_start3A, %dma_start3A_12] : memref<32x90x112xi32, #tpu.memory_space<hbm>> -> memref<1x90x112xi32, #tpu.memory_space<hbm>>
      %dma_start3A_14 = tpu.memref_squeeze %dma_start3A_13 : memref<1x90x112xi32, #tpu.memory_space<hbm>> -> memref<90x112xi32, #tpu.memory_space<hbm>>
      %dma_start3A_15 = arith.constant 0 : i32
      %dma_start3A_16 = arith.constant 0 : i32
      %dma_start3A_17 = tpu.memref_slice %arg4[%add3A, %dma_start3A_15, %dma_start3A_16] : memref<32x90x112xi32, #tpu.memory_space<hbm>> -> memref<1x90x112xi32, #tpu.memory_space<hbm>>
      %dma_start3A_18 = tpu.memref_squeeze %dma_start3A_17 : memref<1x90x112xi32, #tpu.memory_space<hbm>> -> memref<90x112xi32, #tpu.memory_space<hbm>>
      tpu.enqueue_dma source(%dma_start3A_18 : memref<90x112xi32, #tpu.memory_space<hbm>>) target(%arg8 : memref<90x112xi32, #tpu.memory_space<vmem>>) target_semaphore(%run_scoped3A : memref<!tpu.dma_semaphore, #tpu.memory_space<semaphore_mem>>)
      %dma_wait3A = arith.constant 0 : i32
      %dma_wait3A_19 = arith.constant 0 : i32
      %dma_wait3A_20 = tpu.memref_slice %arg4[%add3A, %dma_wait3A, %dma_wait3A_19] : memref<32x90x112xi32, #tpu.memory_space<hbm>> -> memref<1x90x112xi32, #tpu.memory_space<hbm>>
      %dma_wait3A_21 = tpu.memref_squeeze %dma_wait3A_20 : memref<1x90x112xi32, #tpu.memory_space<hbm>> -> memref<90x112xi32, #tpu.memory_space<hbm>>
      %dma_wait3A_22 = arith.constant 0 : i32
      %dma_wait3A_23 = arith.constant 0 : i32
      %dma_wait3A_24 = tpu.memref_slice %arg4[%add3A, %dma_wait3A_22, %dma_wait3A_23] : memref<32x90x112xi32, #tpu.memory_space<hbm>> -> memref<1x90x112xi32, #tpu.memory_space<hbm>>
      %dma_wait3A_25 = tpu.memref_squeeze %dma_wait3A_24 : memref<1x90x112xi32, #tpu.memory_space<hbm>> -> memref<90x112xi32, #tpu.memory_space<hbm>>
      tpu.wait_dma2 semaphore(%run_scoped3A : memref<!tpu.dma_semaphore, #tpu.memory_space<semaphore_mem>>) src(%dma_wait3A_25 : memref<90x112xi32, #tpu.memory_space<hbm>>) dst(%arg8 : memref<90x112xi32, #tpu.memory_space<vmem>>)
      tpu.yield
    }) : () -> ()
    %barrier3A = arith.constant 0 : index
    tpu.barrier barrier_id(%barrier3A)
    %scan3A = arith.constant 0 : i32
    %scan3A_3 = arith.constant 90 : i32
    %scan3A_4 = arith.addi %scan3A, %scan3A_3 : i32
    %scan3A_5 = arith.constant 1 : i32
    scf.for %scan3A_12 = %scan3A to %scan3A_4 step %scan3A_5  : i32 {
      %mul3A_13 = arith.constant 1 : i32
      %mul3A_14 = arith.muli %scan3A_12, %mul3A_13 : i32
      %add3A_15 = arith.constant 0 : i32
      %add3A_16 = arith.addi %add3A_15, %mul3A_14 : i32
      "tpu.region"() ({
        %run_scoped3A = tpu.sem_alloc : memref<!tpu.dma_semaphore, #tpu.memory_space<semaphore_mem>>
        %dma_start3A = arith.constant 0 : i32
        %dma_start3A_17 = tpu.memref_slice %arg7[%add3A_16, %dma_start3A] : memref<90x112xi32, #tpu.memory_space<vmem>> -> memref<1x112xi32, #tpu.memory_space<vmem>>
        %dma_start3A_18 = tpu.memref_squeeze %dma_start3A_17 : memref<1x112xi32, #tpu.memory_space<vmem>> -> memref<112xi32, #tpu.memory_space<vmem>>
        %dma_start3A_19 = arith.constant 0 : i32
        %dma_start3A_20 = arith.constant 0 : i32
        %dma_start3A_21 = tpu.memref_slice %arg2[%dma_start3A_19, %dma_start3A_20] : memref<10000x128xf32, #tpu.memory_space<hbm>> -> memref<10000x128xf32, #tpu.memory_space<hbm>>
        tpu.enqueue_indirect_dma source(%dma_start3A_21 : memref<10000x128xf32, #tpu.memory_space<hbm>>) target(%arg9 : memref<112x128xf32, #tpu.memory_space<vmem>>) offsets(%dma_start3A_18 : memref<112xi32, #tpu.memory_space<vmem>>) semaphore(%run_scoped3A : memref<!tpu.dma_semaphore, #tpu.memory_space<semaphore_mem>>)
        %dma_wait3A = arith.constant 0 : i32
        %dma_wait3A_22 = tpu.memref_slice %arg7[%add3A_16, %dma_wait3A] : memref<90x112xi32, #tpu.memory_space<vmem>> -> memref<1x112xi32, #tpu.memory_space<vmem>>
        %dma_wait3A_23 = tpu.memref_squeeze %dma_wait3A_22 : memref<1x112xi32, #tpu.memory_space<vmem>> -> memref<112xi32, #tpu.memory_space<vmem>>
        %dma_wait3A_24 = arith.constant 0 : i32
        %dma_wait3A_25 = arith.constant 0 : i32
        %dma_wait3A_26 = tpu.memref_slice %arg2[%dma_wait3A_24, %dma_wait3A_25] : memref<10000x128xf32, #tpu.memory_space<hbm>> -> memref<10000x128xf32, #tpu.memory_space<hbm>>
        tpu.wait_indirect_dma semaphore(%run_scoped3A : memref<!tpu.dma_semaphore, #tpu.memory_space<semaphore_mem>>) src(%dma_wait3A_26 : memref<10000x128xf32, #tpu.memory_space<hbm>>) dst(%arg9 : memref<112x128xf32, #tpu.memory_space<vmem>>)
        tpu.yield
      }) : () -> ()
      "tpu.region"() ({
        %run_scoped3A = tpu.sem_alloc : memref<!tpu.dma_semaphore, #tpu.memory_space<semaphore_mem>>
        %dma_start3A = arith.constant 0 : i32
        %dma_start3A_17 = tpu.memref_slice %arg8[%add3A_16, %dma_start3A] : memref<90x112xi32, #tpu.memory_space<vmem>> -> memref<1x112xi32, #tpu.memory_space<vmem>>
        %dma_start3A_18 = tpu.memref_squeeze %dma_start3A_17 : memref<1x112xi32, #tpu.memory_space<vmem>> -> memref<112xi32, #tpu.memory_space<vmem>>
        %dma_start3A_19 = arith.constant 0 : i32
        %dma_start3A_20 = arith.constant 0 : i32
        %dma_start3A_21 = tpu.memref_slice %arg10[%dma_start3A_19, %dma_start3A_20] : memref<10240x128xf32, #tpu.memory_space<vmem_shared>> -> memref<10240x128xf32, #tpu.memory_space<vmem_shared>>
        tpu.enqueue_indirect_dma source(%arg9 : memref<112x128xf32, #tpu.memory_space<vmem>>) target(%dma_start3A_21 : memref<10240x128xf32, #tpu.memory_space<vmem_shared>>) offsets(%dma_start3A_18 : memref<112xi32, #tpu.memory_space<vmem>>) semaphore(%run_scoped3A : memref<!tpu.dma_semaphore, #tpu.memory_space<semaphore_mem>>) {add = true}
        %dma_wait3A = arith.constant 0 : i32
        %dma_wait3A_22 = tpu.memref_slice %arg8[%add3A_16, %dma_wait3A] : memref<90x112xi32, #tpu.memory_space<vmem>> -> memref<1x112xi32, #tpu.memory_space<vmem>>
        %dma_wait3A_23 = tpu.memref_squeeze %dma_wait3A_22 : memref<1x112xi32, #tpu.memory_space<vmem>> -> memref<112xi32, #tpu.memory_space<vmem>>
        %dma_wait3A_24 = arith.constant 0 : i32
        %dma_wait3A_25 = arith.constant 0 : i32
        %dma_wait3A_26 = tpu.memref_slice %arg10[%dma_wait3A_24, %dma_wait3A_25] : memref<10240x128xf32, #tpu.memory_space<vmem_shared>> -> memref<10240x128xf32, #tpu.memory_space<vmem_shared>>
        tpu.wait_indirect_dma semaphore(%run_scoped3A : memref<!tpu.dma_semaphore, #tpu.memory_space<semaphore_mem>>) src(%arg9 : memref<112x128xf32, #tpu.memory_space<vmem>>) dst(%dma_wait3A_26 : memref<10240x128xf32, #tpu.memory_space<vmem_shared>>)
        tpu.yield
      }) : () -> ()
    }
    %scan3A_6 = arith.constant 90 : i32
    %barrier3A_7 = arith.constant 0 : index
    tpu.barrier barrier_id(%barrier3A_7)
    %mul3A_8 = arith.constant 640 : i32
    %mul3A_9 = arith.muli %arg1, %mul3A_8 : i32
    %mul3A_10 = arith.constant 640 : i32
    %mul3A_11 = arith.muli %arg1, %mul3A_10 : i32
    "tpu.region"() ({
      %run_scoped3A = tpu.sem_alloc : memref<!tpu.dma_semaphore, #tpu.memory_space<semaphore_mem>>
      %dma_start3A = arith.constant 0 : i32
      %dma_start3A_12 = tpu.memref_slice %arg6[%arg0, %mul3A_11, %dma_start3A] : memref<2x10240x128xf32, #tpu.memory_space<hbm>> -> memref<1x640x128xf32, #tpu.memory_space<hbm>>
      %dma_start3A_13 = tpu.memref_squeeze %dma_start3A_12 : memref<1x640x128xf32, #tpu.memory_space<hbm>> -> memref<640x128xf32, #tpu.memory_space<hbm>>
      %dma_start3A_14 = arith.constant 0 : i32
      %dma_start3A_15 = tpu.memref_slice %arg10[%mul3A_9, %dma_start3A_14] : memref<10240x128xf32, #tpu.memory_space<vmem_shared>> -> memref<640x128xf32, #tpu.memory_space<vmem_shared>>
      tpu.enqueue_dma source(%dma_start3A_15 : memref<640x128xf32, #tpu.memory_space<vmem_shared>>) target(%dma_start3A_13 : memref<640x128xf32, #tpu.memory_space<hbm>>) target_semaphore(%run_scoped3A : memref<!tpu.dma_semaphore, #tpu.memory_space<semaphore_mem>>)
      %dma_wait3A = arith.constant 0 : i32
      %dma_wait3A_16 = tpu.memref_slice %arg6[%arg0, %mul3A_11, %dma_wait3A] : memref<2x10240x128xf32, #tpu.memory_space<hbm>> -> memref<1x640x128xf32, #tpu.memory_space<hbm>>
      %dma_wait3A_17 = tpu.memref_squeeze %dma_wait3A_16 : memref<1x640x128xf32, #tpu.memory_space<hbm>> -> memref<640x128xf32, #tpu.memory_space<hbm>>
      %dma_wait3A_18 = arith.constant 0 : i32
      %dma_wait3A_19 = tpu.memref_slice %arg10[%mul3A_9, %dma_wait3A_18] : memref<10240x128xf32, #tpu.memory_space<vmem_shared>> -> memref<640x128xf32, #tpu.memory_space<vmem_shared>>
      tpu.wait_dma2 semaphore(%run_scoped3A : memref<!tpu.dma_semaphore, #tpu.memory_space<semaphore_mem>>) src(%dma_wait3A_19 : memref<640x128xf32, #tpu.memory_space<vmem_shared>>) dst(%dma_wait3A_17 : memref<640x128xf32, #tpu.memory_space<hbm>>)
      tpu.yield
    }) : () -> ()
    return
  }
}

#map = affine_map<(d0, d1) -> (0, 0)>
#map1 = affine_map<(d0, d1) -> (0, 0, 0)>
module attributes {stable_mosaic.version = 14 : i64} {
  func.func @k(%arg0: i32, %arg1: i32, %arg2: memref<10000x128xf32, #tpu.memory_space<hbm>>, %arg3: memref<32x90x112xi32, #tpu.memory_space<hbm>>, %arg4: memref<32x90x112xi32, #tpu.memory_space<hbm>>, %arg5: memref<640x128xf32, #tpu.memory_space<hbm>>, %arg6: memref<2x10240x128xf32, #tpu.memory_space<hbm>>, %arg7: memref<90x112xi32, #tpu.memory_space<vmem>>, %arg8: memref<90x112xi32, #tpu.memory_space<vmem>>, %arg9: memref<112x128xf32, #tpu.memory_space<vmem>>, %arg10: memref<10240x128xf32, #tpu.memory_space<vmem_shared>>) attributes {dimension_semantics = [#tpu.dimension_semantics<core_parallel>, #tpu.dimension_semantics<subcore_parallel>], iteration_bounds = array<i64: 2, 16>, scalar_prefetch = 0 : i64, scratch_operands = 4 : i64, tpu.core_type = #tpu.core_type<sc_vector_subcore>, window_params = [{transform_indices = #map}, {transform_indices = #map1}, {transform_indices = #map1}, {transform_indices = #map}, {transform_indices = #map1}]} {
    %mul3A = arith.constant 16 : i32
    %mul3A_0 = arith.muli %arg0, %mul3A : i32
    %add3A = arith.addi %mul3A_0, %arg1 : i32
    %mul3A_1 = arith.constant 640 : i32
    %mul3A_2 = arith.muli %arg1, %mul3A_1 : i32
    "tpu.region"() ({
      %run_scoped3A = tpu.sem_alloc : memref<!tpu.dma_semaphore, #tpu.memory_space<semaphore_mem>>
      %dma_start3A = arith.constant 0 : i32
      %dma_start3A_12 = tpu.memref_slice %arg10[%mul3A_2, %dma_start3A] : memref<10240x128xf32, #tpu.memory_space<vmem_shared>> -> memref<640x128xf32, #tpu.memory_space<vmem_shared>>
      tpu.enqueue_dma source(%arg5 : memref<640x128xf32, #tpu.memory_space<hbm>>) target(%dma_start3A_12 : memref<640x128xf32, #tpu.memory_space<vmem_shared>>) target_semaphore(%run_scoped3A : memref<!tpu.dma_semaphore, #tpu.memory_space<semaphore_mem>>)
      %dma_wait3A = arith.constant 0 : i32
      %dma_wait3A_13 = tpu.memref_slice %arg10[%mul3A_2, %dma_wait3A] : memref<10240x128xf32, #tpu.memory_space<vmem_shared>> -> memref<640x128xf32, #tpu.memory_space<vmem_shared>>
      tpu.wait_dma2 semaphore(%run_scoped3A : memref<!tpu.dma_semaphore, #tpu.memory_space<semaphore_mem>>) src(%arg5 : memref<640x128xf32, #tpu.memory_space<hbm>>) dst(%dma_wait3A_13 : memref<640x128xf32, #tpu.memory_space<vmem_shared>>)
      tpu.yield
    }) : () -> ()
    "tpu.region"() ({
      %run_scoped3A = tpu.sem_alloc : memref<!tpu.dma_semaphore, #tpu.memory_space<semaphore_mem>>
      %dma_start3A = arith.constant 0 : i32
      %dma_start3A_12 = arith.constant 0 : i32
      %dma_start3A_13 = tpu.memref_slice %arg3[%add3A, %dma_start3A, %dma_start3A_12] : memref<32x90x112xi32, #tpu.memory_space<hbm>> -> memref<1x90x112xi32, #tpu.memory_space<hbm>>
      %dma_start3A_14 = tpu.memref_squeeze %dma_start3A_13 : memref<1x90x112xi32, #tpu.memory_space<hbm>> -> memref<90x112xi32, #tpu.memory_space<hbm>>
      %dma_start3A_15 = arith.constant 0 : i32
      %dma_start3A_16 = arith.constant 0 : i32
      %dma_start3A_17 = tpu.memref_slice %arg3[%add3A, %dma_start3A_15, %dma_start3A_16] : memref<32x90x112xi32, #tpu.memory_space<hbm>> -> memref<1x90x112xi32, #tpu.memory_space<hbm>>
      %dma_start3A_18 = tpu.memref_squeeze %dma_start3A_17 : memref<1x90x112xi32, #tpu.memory_space<hbm>> -> memref<90x112xi32, #tpu.memory_space<hbm>>
      tpu.enqueue_dma source(%dma_start3A_18 : memref<90x112xi32, #tpu.memory_space<hbm>>) target(%arg7 : memref<90x112xi32, #tpu.memory_space<vmem>>) target_semaphore(%run_scoped3A : memref<!tpu.dma_semaphore, #tpu.memory_space<semaphore_mem>>)
      %dma_wait3A = arith.constant 0 : i32
      %dma_wait3A_19 = arith.constant 0 : i32
      %dma_wait3A_20 = tpu.memref_slice %arg3[%add3A, %dma_wait3A, %dma_wait3A_19] : memref<32x90x112xi32, #tpu.memory_space<hbm>> -> memref<1x90x112xi32, #tpu.memory_space<hbm>>
      %dma_wait3A_21 = tpu.memref_squeeze %dma_wait3A_20 : memref<1x90x112xi32, #tpu.memory_space<hbm>> -> memref<90x112xi32, #tpu.memory_space<hbm>>
      %dma_wait3A_22 = arith.constant 0 : i32
      %dma_wait3A_23 = arith.constant 0 : i32
      %dma_wait3A_24 = tpu.memref_slice %arg3[%add3A, %dma_wait3A_22, %dma_wait3A_23] : memref<32x90x112xi32, #tpu.memory_space<hbm>> -> memref<1x90x112xi32, #tpu.memory_space<hbm>>
      %dma_wait3A_25 = tpu.memref_squeeze %dma_wait3A_24 : memref<1x90x112xi32, #tpu.memory_space<hbm>> -> memref<90x112xi32, #tpu.memory_space<hbm>>
      tpu.wait_dma2 semaphore(%run_scoped3A : memref<!tpu.dma_semaphore, #tpu.memory_space<semaphore_mem>>) src(%dma_wait3A_25 : memref<90x112xi32, #tpu.memory_space<hbm>>) dst(%arg7 : memref<90x112xi32, #tpu.memory_space<vmem>>)
      tpu.yield
    }) : () -> ()
    "tpu.region"() ({
      %run_scoped3A = tpu.sem_alloc : memref<!tpu.dma_semaphore, #tpu.memory_space<semaphore_mem>>
      %dma_start3A = arith.constant 0 : i32
      %dma_start3A_12 = arith.constant 0 : i32
      %dma_start3A_13 = tpu.memref_slice %arg4[%add3A, %dma_start3A, %dma_start3A_12] : memref<32x90x112xi32, #tpu.memory_space<hbm>> -> memref<1x90x112xi32, #tpu.memory_space<hbm>>
      %dma_start3A_14 = tpu.memref_squeeze %dma_start3A_13 : memref<1x90x112xi32, #tpu.memory_space<hbm>> -> memref<90x112xi32, #tpu.memory_space<hbm>>
      %dma_start3A_15 = arith.constant 0 : i32
      %dma_start3A_16 = arith.constant 0 : i32
      %dma_start3A_17 = tpu.memref_slice %arg4[%add3A, %dma_start3A_15, %dma_start3A_16] : memref<32x90x112xi32, #tpu.memory_space<hbm>> -> memref<1x90x112xi32, #tpu.memory_space<hbm>>
      %dma_start3A_18 = tpu.memref_squeeze %dma_start3A_17 : memref<1x90x112xi32, #tpu.memory_space<hbm>> -> memref<90x112xi32, #tpu.memory_space<hbm>>
      tpu.enqueue_dma source(%dma_start3A_18 : memref<90x112xi32, #tpu.memory_space<hbm>>) target(%arg8 : memref<90x112xi32, #tpu.memory_space<vmem>>) target_semaphore(%run_scoped3A : memref<!tpu.dma_semaphore, #tpu.memory_space<semaphore_mem>>)
      %dma_wait3A = arith.constant 0 : i32
      %dma_wait3A_19 = arith.constant 0 : i32
      %dma_wait3A_20 = tpu.memref_slice %arg4[%add3A, %dma_wait3A, %dma_wait3A_19] : memref<32x90x112xi32, #tpu.memory_space<hbm>> -> memref<1x90x112xi32, #tpu.memory_space<hbm>>
      %dma_wait3A_21 = tpu.memref_squeeze %dma_wait3A_20 : memref<1x90x112xi32, #tpu.memory_space<hbm>> -> memref<90x112xi32, #tpu.memory_space<hbm>>
      %dma_wait3A_22 = arith.constant 0 : i32
      %dma_wait3A_23 = arith.constant 0 : i32
      %dma_wait3A_24 = tpu.memref_slice %arg4[%add3A, %dma_wait3A_22, %dma_wait3A_23] : memref<32x90x112xi32, #tpu.memory_space<hbm>> -> memref<1x90x112xi32, #tpu.memory_space<hbm>>
      %dma_wait3A_25 = tpu.memref_squeeze %dma_wait3A_24 : memref<1x90x112xi32, #tpu.memory_space<hbm>> -> memref<90x112xi32, #tpu.memory_space<hbm>>
      tpu.wait_dma2 semaphore(%run_scoped3A : memref<!tpu.dma_semaphore, #tpu.memory_space<semaphore_mem>>) src(%dma_wait3A_25 : memref<90x112xi32, #tpu.memory_space<hbm>>) dst(%arg8 : memref<90x112xi32, #tpu.memory_space<vmem>>)
      tpu.yield
    }) : () -> ()
    %barrier3A = arith.constant 0 : index
    tpu.barrier barrier_id(%barrier3A)
    %scan3A = arith.constant 0 : i32
    %scan3A_3 = arith.constant 90 : i32
    %scan3A_4 = arith.addi %scan3A, %scan3A_3 : i32
    %scan3A_5 = arith.constant 1 : i32
    scf.for %scan3A_12 = %scan3A to %scan3A_4 step %scan3A_5  : i32 {
      %mul3A_13 = arith.constant 1 : i32
      %mul3A_14 = arith.muli %scan3A_12, %mul3A_13 : i32
      %add3A_15 = arith.constant 0 : i32
      %add3A_16 = arith.addi %add3A_15, %mul3A_14 : i32
      "tpu.region"() ({
        %run_scoped3A = tpu.sem_alloc : memref<!tpu.dma_semaphore, #tpu.memory_space<semaphore_mem>>
        %dma_start3A = arith.constant 0 : i32
        %dma_start3A_17 = tpu.memref_slice %arg7[%add3A_16, %dma_start3A] : memref<90x112xi32, #tpu.memory_space<vmem>> -> memref<1x112xi32, #tpu.memory_space<vmem>>
        %dma_start3A_18 = tpu.memref_squeeze %dma_start3A_17 : memref<1x112xi32, #tpu.memory_space<vmem>> -> memref<112xi32, #tpu.memory_space<vmem>>
        %dma_start3A_19 = arith.constant 0 : i32
        %dma_start3A_20 = arith.constant 0 : i32
        %dma_start3A_21 = tpu.memref_slice %arg2[%dma_start3A_19, %dma_start3A_20] : memref<10000x128xf32, #tpu.memory_space<hbm>> -> memref<10000x128xf32, #tpu.memory_space<hbm>>
        tpu.enqueue_indirect_dma source(%dma_start3A_21 : memref<10000x128xf32, #tpu.memory_space<hbm>>) target(%arg9 : memref<112x128xf32, #tpu.memory_space<vmem>>) offsets(%dma_start3A_18 : memref<112xi32, #tpu.memory_space<vmem>>) semaphore(%run_scoped3A : memref<!tpu.dma_semaphore, #tpu.memory_space<semaphore_mem>>)
        %dma_wait3A = arith.constant 0 : i32
        %dma_wait3A_22 = tpu.memref_slice %arg7[%add3A_16, %dma_wait3A] : memref<90x112xi32, #tpu.memory_space<vmem>> -> memref<1x112xi32, #tpu.memory_space<vmem>>
        %dma_wait3A_23 = tpu.memref_squeeze %dma_wait3A_22 : memref<1x112xi32, #tpu.memory_space<vmem>> -> memref<112xi32, #tpu.memory_space<vmem>>
        %dma_wait3A_24 = arith.constant 0 : i32
        %dma_wait3A_25 = arith.constant 0 : i32
        %dma_wait3A_26 = tpu.memref_slice %arg2[%dma_wait3A_24, %dma_wait3A_25] : memref<10000x128xf32, #tpu.memory_space<hbm>> -> memref<10000x128xf32, #tpu.memory_space<hbm>>
        tpu.wait_indirect_dma semaphore(%run_scoped3A : memref<!tpu.dma_semaphore, #tpu.memory_space<semaphore_mem>>) src(%dma_wait3A_26 : memref<10000x128xf32, #tpu.memory_space<hbm>>) dst(%arg9 : memref<112x128xf32, #tpu.memory_space<vmem>>)
        tpu.yield
      }) : () -> ()
      "tpu.region"() ({
        %run_scoped3A = tpu.sem_alloc : memref<!tpu.dma_semaphore, #tpu.memory_space<semaphore_mem>>
        %dma_start3A = arith.constant 0 : i32
        %dma_start3A_17 = tpu.memref_slice %arg8[%add3A_16, %dma_start3A] : memref<90x112xi32, #tpu.memory_space<vmem>> -> memref<1x112xi32, #tpu.memory_space<vmem>>
        %dma_start3A_18 = tpu.memref_squeeze %dma_start3A_17 : memref<1x112xi32, #tpu.memory_space<vmem>> -> memref<112xi32, #tpu.memory_space<vmem>>
        %dma_start3A_19 = arith.constant 0 : i32
        %dma_start3A_20 = arith.constant 0 : i32
        %dma_start3A_21 = tpu.memref_slice %arg10[%dma_start3A_19, %dma_start3A_20] : memref<10240x128xf32, #tpu.memory_space<vmem_shared>> -> memref<10240x128xf32, #tpu.memory_space<vmem_shared>>
        tpu.enqueue_indirect_dma source(%arg9 : memref<112x128xf32, #tpu.memory_space<vmem>>) target(%dma_start3A_21 : memref<10240x128xf32, #tpu.memory_space<vmem_shared>>) offsets(%dma_start3A_18 : memref<112xi32, #tpu.memory_space<vmem>>) semaphore(%run_scoped3A : memref<!tpu.dma_semaphore, #tpu.memory_space<semaphore_mem>>) {add = true}
        %dma_wait3A = arith.constant 0 : i32
        %dma_wait3A_22 = tpu.memref_slice %arg8[%add3A_16, %dma_wait3A] : memref<90x112xi32, #tpu.memory_space<vmem>> -> memref<1x112xi32, #tpu.memory_space<vmem>>
        %dma_wait3A_23 = tpu.memref_squeeze %dma_wait3A_22 : memref<1x112xi32, #tpu.memory_space<vmem>> -> memref<112xi32, #tpu.memory_space<vmem>>
        %dma_wait3A_24 = arith.constant 0 : i32
        %dma_wait3A_25 = arith.constant 0 : i32
        %dma_wait3A_26 = tpu.memref_slice %arg10[%dma_wait3A_24, %dma_wait3A_25] : memref<10240x128xf32, #tpu.memory_space<vmem_shared>> -> memref<10240x128xf32, #tpu.memory_space<vmem_shared>>
        tpu.wait_indirect_dma semaphore(%run_scoped3A : memref<!tpu.dma_semaphore, #tpu.memory_space<semaphore_mem>>) src(%arg9 : memref<112x128xf32, #tpu.memory_space<vmem>>) dst(%dma_wait3A_26 : memref<10240x128xf32, #tpu.memory_space<vmem_shared>>)
        tpu.yield
      }) : () -> ()
    }
    %scan3A_6 = arith.constant 90 : i32
    %barrier3A_7 = arith.constant 0 : index
    tpu.barrier barrier_id(%barrier3A_7)
    %mul3A_8 = arith.constant 640 : i32
    %mul3A_9 = arith.muli %arg1, %mul3A_8 : i32
    %mul3A_10 = arith.constant 640 : i32
    %mul3A_11 = arith.muli %arg1, %mul3A_10 : i32
    "tpu.region"() ({
      %run_scoped3A = tpu.sem_alloc : memref<!tpu.dma_semaphore, #tpu.memory_space<semaphore_mem>>
      %dma_start3A = arith.constant 0 : i32
      %dma_start3A_12 = tpu.memref_slice %arg6[%arg0, %mul3A_11, %dma_start3A] : memref<2x10240x128xf32, #tpu.memory_space<hbm>> -> memref<1x640x128xf32, #tpu.memory_space<hbm>>
      %dma_start3A_13 = tpu.memref_squeeze %dma_start3A_12 : memref<1x640x128xf32, #tpu.memory_space<hbm>> -> memref<640x128xf32, #tpu.memory_space<hbm>>
      %dma_start3A_14 = arith.constant 0 : i32
      %dma_start3A_15 = tpu.memref_slice %arg10[%mul3A_9, %dma_start3A_14] : memref<10240x128xf32, #tpu.memory_space<vmem_shared>> -> memref<640x128xf32, #tpu.memory_space<vmem_shared>>
      tpu.enqueue_dma source(%dma_start3A_15 : memref<640x128xf32, #tpu.memory_space<vmem_shared>>) target(%dma_start3A_13 : memref<640x128xf32, #tpu.memory_space<hbm>>) target_semaphore(%run_scoped3A : memref<!tpu.dma_semaphore, #tpu.memory_space<semaphore_mem>>)
      %dma_wait3A = arith.constant 0 : i32
      %dma_wait3A_16 = tpu.memref_slice %arg6[%arg0, %mul3A_11, %dma_wait3A] : memref<2x10240x128xf32, #tpu.memory_space<hbm>> -> memref<1x640x128xf32, #tpu.memory_space<hbm>>
      %dma_wait3A_17 = tpu.memref_squeeze %dma_wait3A_16 : memref<1x640x128xf32, #tpu.memory_space<hbm>> -> memref<640x128xf32, #tpu.memory_space<hbm>>
      %dma_wait3A_18 = arith.constant 0 : i32
      %dma_wait3A_19 = tpu.memref_slice %arg10[%mul3A_9, %dma_wait3A_18] : memref<10240x128xf32, #tpu.memory_space<vmem_shared>> -> memref<640x128xf32, #tpu.memory_space<vmem_shared>>
      tpu.wait_dma2 semaphore(%run_scoped3A : memref<!tpu.dma_semaphore, #tpu.memory_space<semaphore_mem>>) src(%dma_wait3A_19 : memref<640x128xf32, #tpu.memory_space<vmem_shared>>) dst(%dma_wait3A_17 : memref<640x128xf32, #tpu.memory_space<hbm>>)
      tpu.yield
    }) : () -> ()
    return
  }
}

#map = affine_map<(d0, d1) -> (0, 0)>
#map1 = affine_map<(d0, d1) -> (0, 0, 0)>
module attributes {stable_mosaic.version = 14 : i64} {
  func.func @k(%arg0: i32, %arg1: i32, %arg2: memref<10000x128xf32, #tpu.memory_space<hbm>>, %arg3: memref<32x90x112xi32, #tpu.memory_space<hbm>>, %arg4: memref<32x90x112xi32, #tpu.memory_space<hbm>>, %arg5: memref<640x128xf32, #tpu.memory_space<hbm>>, %arg6: memref<2x10240x128xf32, #tpu.memory_space<hbm>>, %arg7: memref<90x112xi32, #tpu.memory_space<vmem>>, %arg8: memref<90x112xi32, #tpu.memory_space<vmem>>, %arg9: memref<112x128xf32, #tpu.memory_space<vmem>>, %arg10: memref<10240x128xf32, #tpu.memory_space<vmem_shared>>) attributes {dimension_semantics = [#tpu.dimension_semantics<core_parallel>, #tpu.dimension_semantics<subcore_parallel>], iteration_bounds = array<i64: 2, 16>, scalar_prefetch = 0 : i64, scratch_operands = 4 : i64, tpu.core_type = #tpu.core_type<sc_vector_subcore>, window_params = [{transform_indices = #map}, {transform_indices = #map1}, {transform_indices = #map1}, {transform_indices = #map}, {transform_indices = #map1}]} {
    %mul3A = arith.constant 16 : i32
    %mul3A_0 = arith.muli %arg0, %mul3A : i32
    %add3A = arith.addi %mul3A_0, %arg1 : i32
    %mul3A_1 = arith.constant 640 : i32
    %mul3A_2 = arith.muli %arg1, %mul3A_1 : i32
    "tpu.region"() ({
      %run_scoped3A = tpu.sem_alloc : memref<!tpu.dma_semaphore, #tpu.memory_space<semaphore_mem>>
      %dma_start3A = arith.constant 0 : i32
      %dma_start3A_12 = tpu.memref_slice %arg10[%mul3A_2, %dma_start3A] : memref<10240x128xf32, #tpu.memory_space<vmem_shared>> -> memref<640x128xf32, #tpu.memory_space<vmem_shared>>
      tpu.enqueue_dma source(%arg5 : memref<640x128xf32, #tpu.memory_space<hbm>>) target(%dma_start3A_12 : memref<640x128xf32, #tpu.memory_space<vmem_shared>>) target_semaphore(%run_scoped3A : memref<!tpu.dma_semaphore, #tpu.memory_space<semaphore_mem>>)
      %dma_wait3A = arith.constant 0 : i32
      %dma_wait3A_13 = tpu.memref_slice %arg10[%mul3A_2, %dma_wait3A] : memref<10240x128xf32, #tpu.memory_space<vmem_shared>> -> memref<640x128xf32, #tpu.memory_space<vmem_shared>>
      tpu.wait_dma2 semaphore(%run_scoped3A : memref<!tpu.dma_semaphore, #tpu.memory_space<semaphore_mem>>) src(%arg5 : memref<640x128xf32, #tpu.memory_space<hbm>>) dst(%dma_wait3A_13 : memref<640x128xf32, #tpu.memory_space<vmem_shared>>)
      tpu.yield
    }) : () -> ()
    "tpu.region"() ({
      %run_scoped3A = tpu.sem_alloc : memref<!tpu.dma_semaphore, #tpu.memory_space<semaphore_mem>>
      %dma_start3A = arith.constant 0 : i32
      %dma_start3A_12 = arith.constant 0 : i32
      %dma_start3A_13 = tpu.memref_slice %arg3[%add3A, %dma_start3A, %dma_start3A_12] : memref<32x90x112xi32, #tpu.memory_space<hbm>> -> memref<1x90x112xi32, #tpu.memory_space<hbm>>
      %dma_start3A_14 = tpu.memref_squeeze %dma_start3A_13 : memref<1x90x112xi32, #tpu.memory_space<hbm>> -> memref<90x112xi32, #tpu.memory_space<hbm>>
      %dma_start3A_15 = arith.constant 0 : i32
      %dma_start3A_16 = arith.constant 0 : i32
      %dma_start3A_17 = tpu.memref_slice %arg3[%add3A, %dma_start3A_15, %dma_start3A_16] : memref<32x90x112xi32, #tpu.memory_space<hbm>> -> memref<1x90x112xi32, #tpu.memory_space<hbm>>
      %dma_start3A_18 = tpu.memref_squeeze %dma_start3A_17 : memref<1x90x112xi32, #tpu.memory_space<hbm>> -> memref<90x112xi32, #tpu.memory_space<hbm>>
      tpu.enqueue_dma source(%dma_start3A_18 : memref<90x112xi32, #tpu.memory_space<hbm>>) target(%arg7 : memref<90x112xi32, #tpu.memory_space<vmem>>) target_semaphore(%run_scoped3A : memref<!tpu.dma_semaphore, #tpu.memory_space<semaphore_mem>>)
      %dma_wait3A = arith.constant 0 : i32
      %dma_wait3A_19 = arith.constant 0 : i32
      %dma_wait3A_20 = tpu.memref_slice %arg3[%add3A, %dma_wait3A, %dma_wait3A_19] : memref<32x90x112xi32, #tpu.memory_space<hbm>> -> memref<1x90x112xi32, #tpu.memory_space<hbm>>
      %dma_wait3A_21 = tpu.memref_squeeze %dma_wait3A_20 : memref<1x90x112xi32, #tpu.memory_space<hbm>> -> memref<90x112xi32, #tpu.memory_space<hbm>>
      %dma_wait3A_22 = arith.constant 0 : i32
      %dma_wait3A_23 = arith.constant 0 : i32
      %dma_wait3A_24 = tpu.memref_slice %arg3[%add3A, %dma_wait3A_22, %dma_wait3A_23] : memref<32x90x112xi32, #tpu.memory_space<hbm>> -> memref<1x90x112xi32, #tpu.memory_space<hbm>>
      %dma_wait3A_25 = tpu.memref_squeeze %dma_wait3A_24 : memref<1x90x112xi32, #tpu.memory_space<hbm>> -> memref<90x112xi32, #tpu.memory_space<hbm>>
      tpu.wait_dma2 semaphore(%run_scoped3A : memref<!tpu.dma_semaphore, #tpu.memory_space<semaphore_mem>>) src(%dma_wait3A_25 : memref<90x112xi32, #tpu.memory_space<hbm>>) dst(%arg7 : memref<90x112xi32, #tpu.memory_space<vmem>>)
      tpu.yield
    }) : () -> ()
    "tpu.region"() ({
      %run_scoped3A = tpu.sem_alloc : memref<!tpu.dma_semaphore, #tpu.memory_space<semaphore_mem>>
      %dma_start3A = arith.constant 0 : i32
      %dma_start3A_12 = arith.constant 0 : i32
      %dma_start3A_13 = tpu.memref_slice %arg4[%add3A, %dma_start3A, %dma_start3A_12] : memref<32x90x112xi32, #tpu.memory_space<hbm>> -> memref<1x90x112xi32, #tpu.memory_space<hbm>>
      %dma_start3A_14 = tpu.memref_squeeze %dma_start3A_13 : memref<1x90x112xi32, #tpu.memory_space<hbm>> -> memref<90x112xi32, #tpu.memory_space<hbm>>
      %dma_start3A_15 = arith.constant 0 : i32
      %dma_start3A_16 = arith.constant 0 : i32
      %dma_start3A_17 = tpu.memref_slice %arg4[%add3A, %dma_start3A_15, %dma_start3A_16] : memref<32x90x112xi32, #tpu.memory_space<hbm>> -> memref<1x90x112xi32, #tpu.memory_space<hbm>>
      %dma_start3A_18 = tpu.memref_squeeze %dma_start3A_17 : memref<1x90x112xi32, #tpu.memory_space<hbm>> -> memref<90x112xi32, #tpu.memory_space<hbm>>
      tpu.enqueue_dma source(%dma_start3A_18 : memref<90x112xi32, #tpu.memory_space<hbm>>) target(%arg8 : memref<90x112xi32, #tpu.memory_space<vmem>>) target_semaphore(%run_scoped3A : memref<!tpu.dma_semaphore, #tpu.memory_space<semaphore_mem>>)
      %dma_wait3A = arith.constant 0 : i32
      %dma_wait3A_19 = arith.constant 0 : i32
      %dma_wait3A_20 = tpu.memref_slice %arg4[%add3A, %dma_wait3A, %dma_wait3A_19] : memref<32x90x112xi32, #tpu.memory_space<hbm>> -> memref<1x90x112xi32, #tpu.memory_space<hbm>>
      %dma_wait3A_21 = tpu.memref_squeeze %dma_wait3A_20 : memref<1x90x112xi32, #tpu.memory_space<hbm>> -> memref<90x112xi32, #tpu.memory_space<hbm>>
      %dma_wait3A_22 = arith.constant 0 : i32
      %dma_wait3A_23 = arith.constant 0 : i32
      %dma_wait3A_24 = tpu.memref_slice %arg4[%add3A, %dma_wait3A_22, %dma_wait3A_23] : memref<32x90x112xi32, #tpu.memory_space<hbm>> -> memref<1x90x112xi32, #tpu.memory_space<hbm>>
      %dma_wait3A_25 = tpu.memref_squeeze %dma_wait3A_24 : memref<1x90x112xi32, #tpu.memory_space<hbm>> -> memref<90x112xi32, #tpu.memory_space<hbm>>
      tpu.wait_dma2 semaphore(%run_scoped3A : memref<!tpu.dma_semaphore, #tpu.memory_space<semaphore_mem>>) src(%dma_wait3A_25 : memref<90x112xi32, #tpu.memory_space<hbm>>) dst(%arg8 : memref<90x112xi32, #tpu.memory_space<vmem>>)
      tpu.yield
    }) : () -> ()
    %barrier3A = arith.constant 0 : index
    tpu.barrier barrier_id(%barrier3A)
    %scan3A = arith.constant 0 : i32
    %scan3A_3 = arith.constant 90 : i32
    %scan3A_4 = arith.addi %scan3A, %scan3A_3 : i32
    %scan3A_5 = arith.constant 1 : i32
    scf.for %scan3A_12 = %scan3A to %scan3A_4 step %scan3A_5  : i32 {
      %mul3A_13 = arith.constant 1 : i32
      %mul3A_14 = arith.muli %scan3A_12, %mul3A_13 : i32
      %add3A_15 = arith.constant 0 : i32
      %add3A_16 = arith.addi %add3A_15, %mul3A_14 : i32
      "tpu.region"() ({
        %run_scoped3A = tpu.sem_alloc : memref<!tpu.dma_semaphore, #tpu.memory_space<semaphore_mem>>
        %dma_start3A = arith.constant 0 : i32
        %dma_start3A_17 = tpu.memref_slice %arg7[%add3A_16, %dma_start3A] : memref<90x112xi32, #tpu.memory_space<vmem>> -> memref<1x112xi32, #tpu.memory_space<vmem>>
        %dma_start3A_18 = tpu.memref_squeeze %dma_start3A_17 : memref<1x112xi32, #tpu.memory_space<vmem>> -> memref<112xi32, #tpu.memory_space<vmem>>
        %dma_start3A_19 = arith.constant 0 : i32
        %dma_start3A_20 = arith.constant 0 : i32
        %dma_start3A_21 = tpu.memref_slice %arg2[%dma_start3A_19, %dma_start3A_20] : memref<10000x128xf32, #tpu.memory_space<hbm>> -> memref<10000x128xf32, #tpu.memory_space<hbm>>
        tpu.enqueue_indirect_dma source(%dma_start3A_21 : memref<10000x128xf32, #tpu.memory_space<hbm>>) target(%arg9 : memref<112x128xf32, #tpu.memory_space<vmem>>) offsets(%dma_start3A_18 : memref<112xi32, #tpu.memory_space<vmem>>) semaphore(%run_scoped3A : memref<!tpu.dma_semaphore, #tpu.memory_space<semaphore_mem>>)
        %dma_wait3A = arith.constant 0 : i32
        %dma_wait3A_22 = tpu.memref_slice %arg7[%add3A_16, %dma_wait3A] : memref<90x112xi32, #tpu.memory_space<vmem>> -> memref<1x112xi32, #tpu.memory_space<vmem>>
        %dma_wait3A_23 = tpu.memref_squeeze %dma_wait3A_22 : memref<1x112xi32, #tpu.memory_space<vmem>> -> memref<112xi32, #tpu.memory_space<vmem>>
        %dma_wait3A_24 = arith.constant 0 : i32
        %dma_wait3A_25 = arith.constant 0 : i32
        %dma_wait3A_26 = tpu.memref_slice %arg2[%dma_wait3A_24, %dma_wait3A_25] : memref<10000x128xf32, #tpu.memory_space<hbm>> -> memref<10000x128xf32, #tpu.memory_space<hbm>>
        tpu.wait_indirect_dma semaphore(%run_scoped3A : memref<!tpu.dma_semaphore, #tpu.memory_space<semaphore_mem>>) src(%dma_wait3A_26 : memref<10000x128xf32, #tpu.memory_space<hbm>>) dst(%arg9 : memref<112x128xf32, #tpu.memory_space<vmem>>)
        tpu.yield
      }) : () -> ()
      "tpu.region"() ({
        %run_scoped3A = tpu.sem_alloc : memref<!tpu.dma_semaphore, #tpu.memory_space<semaphore_mem>>
        %dma_start3A = arith.constant 0 : i32
        %dma_start3A_17 = tpu.memref_slice %arg8[%add3A_16, %dma_start3A] : memref<90x112xi32, #tpu.memory_space<vmem>> -> memref<1x112xi32, #tpu.memory_space<vmem>>
        %dma_start3A_18 = tpu.memref_squeeze %dma_start3A_17 : memref<1x112xi32, #tpu.memory_space<vmem>> -> memref<112xi32, #tpu.memory_space<vmem>>
        %dma_start3A_19 = arith.constant 0 : i32
        %dma_start3A_20 = arith.constant 0 : i32
        %dma_start3A_21 = tpu.memref_slice %arg10[%dma_start3A_19, %dma_start3A_20] : memref<10240x128xf32, #tpu.memory_space<vmem_shared>> -> memref<10240x128xf32, #tpu.memory_space<vmem_shared>>
        tpu.enqueue_indirect_dma source(%arg9 : memref<112x128xf32, #tpu.memory_space<vmem>>) target(%dma_start3A_21 : memref<10240x128xf32, #tpu.memory_space<vmem_shared>>) offsets(%dma_start3A_18 : memref<112xi32, #tpu.memory_space<vmem>>) semaphore(%run_scoped3A : memref<!tpu.dma_semaphore, #tpu.memory_space<semaphore_mem>>) {add = true}
        %dma_wait3A = arith.constant 0 : i32
        %dma_wait3A_22 = tpu.memref_slice %arg8[%add3A_16, %dma_wait3A] : memref<90x112xi32, #tpu.memory_space<vmem>> -> memref<1x112xi32, #tpu.memory_space<vmem>>
        %dma_wait3A_23 = tpu.memref_squeeze %dma_wait3A_22 : memref<1x112xi32, #tpu.memory_space<vmem>> -> memref<112xi32, #tpu.memory_space<vmem>>
        %dma_wait3A_24 = arith.constant 0 : i32
        %dma_wait3A_25 = arith.constant 0 : i32
        %dma_wait3A_26 = tpu.memref_slice %arg10[%dma_wait3A_24, %dma_wait3A_25] : memref<10240x128xf32, #tpu.memory_space<vmem_shared>> -> memref<10240x128xf32, #tpu.memory_space<vmem_shared>>
        tpu.wait_indirect_dma semaphore(%run_scoped3A : memref<!tpu.dma_semaphore, #tpu.memory_space<semaphore_mem>>) src(%arg9 : memref<112x128xf32, #tpu.memory_space<vmem>>) dst(%dma_wait3A_26 : memref<10240x128xf32, #tpu.memory_space<vmem_shared>>)
        tpu.yield
      }) : () -> ()
    }
    %scan3A_6 = arith.constant 90 : i32
    %barrier3A_7 = arith.constant 0 : index
    tpu.barrier barrier_id(%barrier3A_7)
    %mul3A_8 = arith.constant 640 : i32
    %mul3A_9 = arith.muli %arg1, %mul3A_8 : i32
    %mul3A_10 = arith.constant 640 : i32
    %mul3A_11 = arith.muli %arg1, %mul3A_10 : i32
    "tpu.region"() ({
      %run_scoped3A = tpu.sem_alloc : memref<!tpu.dma_semaphore, #tpu.memory_space<semaphore_mem>>
      %dma_start3A = arith.constant 0 : i32
      %dma_start3A_12 = tpu.memref_slice %arg6[%arg0, %mul3A_11, %dma_start3A] : memref<2x10240x128xf32, #tpu.memory_space<hbm>> -> memref<1x640x128xf32, #tpu.memory_space<hbm>>
      %dma_start3A_13 = tpu.memref_squeeze %dma_start3A_12 : memref<1x640x128xf32, #tpu.memory_space<hbm>> -> memref<640x128xf32, #tpu.memory_space<hbm>>
      %dma_start3A_14 = arith.constant 0 : i32
      %dma_start3A_15 = tpu.memref_slice %arg10[%mul3A_9, %dma_start3A_14] : memref<10240x128xf32, #tpu.memory_space<vmem_shared>> -> memref<640x128xf32, #tpu.memory_space<vmem_shared>>
      tpu.enqueue_dma source(%dma_start3A_15 : memref<640x128xf32, #tpu.memory_space<vmem_shared>>) target(%dma_start3A_13 : memref<640x128xf32, #tpu.memory_space<hbm>>) target_semaphore(%run_scoped3A : memref<!tpu.dma_semaphore, #tpu.memory_space<semaphore_mem>>)
      %dma_wait3A = arith.constant 0 : i32
      %dma_wait3A_16 = tpu.memref_slice %arg6[%arg0, %mul3A_11, %dma_wait3A] : memref<2x10240x128xf32, #tpu.memory_space<hbm>> -> memref<1x640x128xf32, #tpu.memory_space<hbm>>
      %dma_wait3A_17 = tpu.memref_squeeze %dma_wait3A_16 : memref<1x640x128xf32, #tpu.memory_space<hbm>> -> memref<640x128xf32, #tpu.memory_space<hbm>>
      %dma_wait3A_18 = arith.constant 0 : i32
      %dma_wait3A_19 = tpu.memref_slice %arg10[%mul3A_9, %dma_wait3A_18] : memref<10240x128xf32, #tpu.memory_space<vmem_shared>> -> memref<640x128xf32, #tpu.memory_space<vmem_shared>>
      tpu.wait_dma2 semaphore(%run_scoped3A : memref<!tpu.dma_semaphore, #tpu.memory_space<semaphore_mem>>) src(%dma_wait3A_19 : memref<640x128xf32, #tpu.memory_space<vmem_shared>>) dst(%dma_wait3A_17 : memref<640x128xf32, #tpu.memory_space<hbm>>)
      tpu.yield
    }) : () -> ()
    return
  }
}

module attributes {stable_mosaic.version = 14 : i64} {
  func.func @body(%arg0: i32, %arg1: memref<1x1xf32, #tpu.memory_space<smem>>, %arg2: memref<1000x128xf32, #tpu.memory_space<vmem>>, %arg3: memref<1x1000x128xf32, #tpu.memory_space<vmem>>, %arg4: memref<1x1000x128xf32, #tpu.memory_space<vmem>>, %arg5: memref<128x128xf32, #tpu.memory_space<vmem>>, %arg6: memref<1x128xf32, #tpu.memory_space<vmem>>, %arg7: memref<1000x128xf32, #tpu.memory_space<vmem>>) attributes {dimension_semantics = [#tpu.dimension_semantics<arbitrary>], iteration_bounds = array<i64: 10>, scalar_prefetch = 0 : i64, scratch_operands = 0 : i64, tpu.core_type = #tpu.core_type<tc>, window_params = [{transform_indices = @transform_0, window_bounds = array<i64: 1, 1>}, {transform_indices = @transform_1, window_bounds = array<i64: 1000, 128>}, {transform_indices = @transform_2, window_bounds = array<i64: 1, 1000, 128>}, {transform_indices = @transform_3, window_bounds = array<i64: 1, 1000, 128>}, {pipeline_mode = #tpu.pipeline_mode<synchronous>, transform_indices = @transform_4, window_bounds = array<i64: 128, 128>}, {pipeline_mode = #tpu.pipeline_mode<synchronous>, transform_indices = @transform_5, window_bounds = array<i64: 1, 128>}, {transform_indices = @transform_6, window_bounds = array<i64: 1000, 128>}]} {
    %get3A = arith.constant 0 : index
    %get3A_0 = arith.constant 0 : index
    %get3A_1 = memref.load %arg1[%get3A, %get3A_0] : memref<1x1xf32, #tpu.memory_space<smem>>
    %add3A = arith.constant 1.000000e+00 : f32
    %add3A_2 = arith.addf %add3A, %get3A_1 : f32
    %get3A_3 = arith.constant 0 : index
    %get3A_4 = arith.constant 0 : index
    %get3A_5 = vector.load %arg2[%get3A_3, %get3A_4] : memref<1000x128xf32, #tpu.memory_space<vmem>>, vector<1000x128xf32>
    %mul3A = vector.broadcast %add3A_2 : f32 to vector<1000x128xf32>
    %mul3A_6 = arith.mulf %mul3A, %get3A_5 : vector<1000x128xf32>
    %get3A_7 = arith.constant 0 : index
    %get3A_8 = arith.constant 0 : index
    %get3A_9 = arith.constant 0 : index
    %get3A_10 = vector.load %arg3[%get3A_7, %get3A_8, %get3A_9] : memref<1x1000x128xf32, #tpu.memory_space<vmem>>, vector<1x1000x128xf32>
    %get3A_11 = vector.shape_cast %get3A_10 : vector<1x1000x128xf32> to vector<1000x128xf32>
    %add3A_12 = arith.addf %mul3A_6, %get3A_11 : vector<1000x128xf32>
    %get3A_13 = arith.constant 0 : index
    %get3A_14 = arith.constant 0 : index
    %get3A_15 = arith.constant 0 : index
    %get3A_16 = vector.load %arg4[%get3A_13, %get3A_14, %get3A_15] : memref<1x1000x128xf32, #tpu.memory_space<vmem>>, vector<1x1000x128xf32>
    %get3A_17 = vector.shape_cast %get3A_16 : vector<1x1000x128xf32> to vector<1000x128xf32>
    %add3A_18 = arith.addf %add3A_12, %get3A_17 : vector<1000x128xf32>
    %get3A_19 = arith.constant 0 : index
    %get3A_20 = arith.constant 0 : index
    %get3A_21 = vector.load %arg5[%get3A_19, %get3A_20] : memref<128x128xf32, #tpu.memory_space<vmem>>, vector<128x128xf32>
    %dot_general3A = arith.constant dense<0.000000e+00> : vector<1000x128xf32>
    %dot_general3A_22 = tpu.matmul %add3A_18, %get3A_21, %dot_general3A {dimension_numbers = #tpu.dot_dimension_numbers<[1], [0], [0], [1], [0, 0, 1, 1], [], []>, transpose_lhs_hint = false} : vector<1000x128xf32>, vector<128x128xf32>, vector<1000x128xf32> -> vector<1000x128xf32>
    %get3A_23 = arith.constant 0 : index
    %get3A_24 = arith.constant 0 : index
    %get3A_25 = vector.load %arg6[%get3A_23, %get3A_24] : memref<1x128xf32, #tpu.memory_space<vmem>>, vector<1x128xf32>
    %add3A_26 = vector.broadcast %get3A_25 : vector<1x128xf32> to vector<1000x128xf32>
    %add3A_27 = arith.addf %dot_general3A_22, %add3A_26 : vector<1000x128xf32>
    %max3A = arith.constant 0.000000e+00 : f32
    %max3A_28 = vector.broadcast %max3A : f32 to vector<1000x128xf32>
    %max3A_29 = arith.maximumf %add3A_27, %max3A_28 : vector<1000x128xf32>
    %swap3A = arith.constant 0 : index
    %swap3A_30 = arith.constant 0 : index
    %swap3A_31 = vector.load %arg7[%swap3A, %swap3A_30] : memref<1000x128xf32, #tpu.memory_space<vmem>>, vector<1000x128xf32>
    tpu.vector_store %arg7[%swap3A, %swap3A_30], %max3A_29 {strides = array<i32>} : memref<1000x128xf32, #tpu.memory_space<vmem>>, vector<1000x128xf32>,
    return
  }
  func.func @transform_0(%arg0: i32) -> (i32, i32) {
    %c0_i32 = arith.constant 0 : i32
    %c0_i32_0 = arith.constant 0 : i32
    %c0_i32_1 = arith.constant 0 : i32
    return %c0_i32, %c0_i32_0 : i32, i32
  }
  func.func @transform_1(%arg0: i32) -> (i32, i32) {
    %c0_i32 = arith.constant 0 : i32
    %c0_i32_0 = arith.constant 0 : i32
    return %arg0, %c0_i32 : i32, i32
  }
  func.func @transform_2(%arg0: i32) -> (i32, i32, i32) {
    %c0_i32 = arith.constant 0 : i32
    %c0_i32_0 = arith.constant 0 : i32
    %c0_i32_1 = arith.constant 0 : i32
    return %c0_i32, %arg0, %c0_i32_0 : i32, i32, i32
  }
  func.func @transform_3(%arg0: i32) -> (i32, i32, i32) {
    %c1_i32 = arith.constant 1 : i32
    %c0_i32 = arith.constant 0 : i32
    %c0_i32_0 = arith.constant 0 : i32
    return %c1_i32, %arg0, %c0_i32 : i32, i32, i32
  }
  func.func @transform_4(%arg0: i32) -> (i32, i32) {
    %c0_i32 = arith.constant 0 : i32
    %c0_i32_0 = arith.constant 0 : i32
    %c0_i32_1 = arith.constant 0 : i32
    return %c0_i32, %c0_i32_0 : i32, i32
  }
  func.func @transform_5(%arg0: i32) -> (i32, i32) {
    %c0_i32 = arith.constant 0 : i32
    %c0_i32_0 = arith.constant 0 : i32
    %c0_i32_1 = arith.constant 0 : i32
    return %c0_i32, %c0_i32_0 : i32, i32
  }
  func.func @transform_6(%arg0: i32) -> (i32, i32) {
    %c0_i32 = arith.constant 0 : i32
    %c0_i32_0 = arith.constant 0 : i32
    return %arg0, %c0_i32 : i32, i32
  }
}

module attributes {stable_mosaic.version = 14 : i64} {
  func.func @body(%arg0: i32, %arg1: memref<1x1xf32, #tpu.memory_space<smem>>, %arg2: memref<1000x128xf32, #tpu.memory_space<vmem>>, %arg3: memref<1x1000x128xf32, #tpu.memory_space<vmem>>, %arg4: memref<1x1000x128xf32, #tpu.memory_space<vmem>>, %arg5: memref<128x64xf32, #tpu.memory_space<vmem>>, %arg6: memref<1x64xf32, #tpu.memory_space<vmem>>, %arg7: memref<1000x64xf32, #tpu.memory_space<vmem>>, %arg8: memref<1000x64xf32, #tpu.memory_space<vmem>>) attributes {dimension_semantics = [#tpu.dimension_semantics<arbitrary>], iteration_bounds = array<i64: 10>, scalar_prefetch = 0 : i64, scratch_operands = 0 : i64, tpu.core_type = #tpu.core_type<tc>, window_params = [{transform_indices = @transform_0, window_bounds = array<i64: 1, 1>}, {transform_indices = @transform_1, window_bounds = array<i64: 1000, 128>}, {transform_indices = @transform_2, window_bounds = array<i64: 1, 1000, 128>}, {transform_indices = @transform_3, window_bounds = array<i64: 1, 1000, 128>}, {pipeline_mode = #tpu.pipeline_mode<synchronous>, transform_indices = @transform_4, window_bounds = array<i64: 128, 64>}, {pipeline_mode = #tpu.pipeline_mode<synchronous>, transform_indices = @transform_5, window_bounds = array<i64: 1, 64>}, {transform_indices = @transform_6, window_bounds = array<i64: 1000, 64>}, {transform_indices = @transform_7, window_bounds = array<i64: 1000, 64>}]} {
    %get3A = arith.constant 0 : index
    %get3A_0 = arith.constant 0 : index
    %get3A_1 = memref.load %arg1[%get3A, %get3A_0] : memref<1x1xf32, #tpu.memory_space<smem>>
    %add3A = arith.constant 1.000000e+00 : f32
    %add3A_2 = arith.addf %add3A, %get3A_1 : f32
    %get3A_3 = arith.constant 0 : index
    %get3A_4 = arith.constant 0 : index
    %get3A_5 = vector.load %arg2[%get3A_3, %get3A_4] : memref<1000x128xf32, #tpu.memory_space<vmem>>, vector<1000x128xf32>
    %mul3A = vector.broadcast %add3A_2 : f32 to vector<1000x128xf32>
    %mul3A_6 = arith.mulf %mul3A, %get3A_5 : vector<1000x128xf32>
    %get3A_7 = arith.constant 0 : index
    %get3A_8 = arith.constant 0 : index
    %get3A_9 = arith.constant 0 : index
    %get3A_10 = vector.load %arg3[%get3A_7, %get3A_8, %get3A_9] : memref<1x1000x128xf32, #tpu.memory_space<vmem>>, vector<1x1000x128xf32>
    %get3A_11 = vector.shape_cast %get3A_10 : vector<1x1000x128xf32> to vector<1000x128xf32>
    %add3A_12 = arith.addf %mul3A_6, %get3A_11 : vector<1000x128xf32>
    %get3A_13 = arith.constant 0 : index
    %get3A_14 = arith.constant 0 : index
    %get3A_15 = arith.constant 0 : index
    %get3A_16 = vector.load %arg4[%get3A_13, %get3A_14, %get3A_15] : memref<1x1000x128xf32, #tpu.memory_space<vmem>>, vector<1x1000x128xf32>
    %get3A_17 = vector.shape_cast %get3A_16 : vector<1x1000x128xf32> to vector<1000x128xf32>
    %add3A_18 = arith.addf %add3A_12, %get3A_17 : vector<1000x128xf32>
    %get3A_19 = arith.constant 0 : index
    %get3A_20 = arith.constant 0 : index
    %get3A_21 = vector.load %arg5[%get3A_19, %get3A_20] : memref<128x64xf32, #tpu.memory_space<vmem>>, vector<128x64xf32>
    %dot_general3A = arith.constant dense<0.000000e+00> : vector<1000x64xf32>
    %dot_general3A_22 = tpu.matmul %add3A_18, %get3A_21, %dot_general3A {dimension_numbers = #tpu.dot_dimension_numbers<[1], [0], [0], [1], [0, 0, 1, 1], [], []>, transpose_lhs_hint = false} : vector<1000x128xf32>, vector<128x64xf32>, vector<1000x64xf32> -> vector<1000x64xf32>
    %get3A_23 = arith.constant 0 : index
    %get3A_24 = arith.constant 0 : index
    %get3A_25 = vector.load %arg6[%get3A_23, %get3A_24] : memref<1x64xf32, #tpu.memory_space<vmem>>, vector<1x64xf32>
    %add3A_26 = vector.broadcast %get3A_25 : vector<1x64xf32> to vector<1000x64xf32>
    %add3A_27 = arith.addf %dot_general3A_22, %add3A_26 : vector<1000x64xf32>
    %max3A = arith.constant 0.000000e+00 : f32
    %max3A_28 = vector.broadcast %max3A : f32 to vector<1000x64xf32>
    %max3A_29 = arith.maximumf %add3A_27, %max3A_28 : vector<1000x64xf32>
    %swap3A = arith.constant 0 : index
    %swap3A_30 = arith.constant 0 : index
    %swap3A_31 = vector.load %arg7[%swap3A, %swap3A_30] : memref<1000x64xf32, #tpu.memory_space<vmem>>, vector<1000x64xf32>
    tpu.vector_store %arg7[%swap3A, %swap3A_30], %max3A_29 {strides = array<i32>} : memref<1000x64xf32, #tpu.memory_space<vmem>>, vector<1000x64xf32>,
    %reduce_max3A = arith.constant dense<0xFF800000> : vector<1000xf32>
    %reduce_max3A_32 = vector.multi_reduction <maximumf>, %max3A_29, %reduce_max3A [1] : vector<1000x64xf32> to vector<1000xf32>
    %broadcast_in_dim3A = vector.shape_cast %reduce_max3A_32 : vector<1000xf32> to vector<1000x1xf32>
    %sub3A = vector.broadcast %broadcast_in_dim3A : vector<1000x1xf32> to vector<1000x64xf32>
    %sub3A_33 = arith.subf %max3A_29, %sub3A : vector<1000x64xf32>
    %exp3A = math.exp %sub3A_33 : vector<1000x64xf32>
    %reduce_sum3A = arith.constant dense<0.000000e+00> : vector<1000xf32>
    %reduce_sum3A_34 = vector.multi_reduction <add>, %exp3A, %reduce_sum3A [1] : vector<1000x64xf32> to vector<1000xf32>
    %broadcast_in_dim3A_35 = vector.shape_cast %reduce_sum3A_34 : vector<1000xf32> to vector<1000x1xf32>
    %div3A = vector.broadcast %broadcast_in_dim3A_35 : vector<1000x1xf32> to vector<1000x64xf32>
    %div3A_36 = arith.divf %exp3A, %div3A : vector<1000x64xf32>
    %swap3A_37 = arith.constant 0 : index
    %swap3A_38 = arith.constant 0 : index
    %swap3A_39 = vector.load %arg8[%swap3A_37, %swap3A_38] : memref<1000x64xf32, #tpu.memory_space<vmem>>, vector<1000x64xf32>
    tpu.vector_store %arg8[%swap3A_37, %swap3A_38], %div3A_36 {strides = array<i32>} : memref<1000x64xf32, #tpu.memory_space<vmem>>, vector<1000x64xf32>,
    return
  }
  func.func @transform_0(%arg0: i32) -> (i32, i32) {
    %c0_i32 = arith.constant 0 : i32
    %c0_i32_0 = arith.constant 0 : i32
    %c0_i32_1 = arith.constant 0 : i32
    return %c0_i32, %c0_i32_0 : i32, i32
  }
  func.func @transform_1(%arg0: i32) -> (i32, i32) {
    %c0_i32 = arith.constant 0 : i32
    %c0_i32_0 = arith.constant 0 : i32
    return %arg0, %c0_i32 : i32, i32
  }
  func.func @transform_2(%arg0: i32) -> (i32, i32, i32) {
    %c0_i32 = arith.constant 0 : i32
    %c0_i32_0 = arith.constant 0 : i32
    %c0_i32_1 = arith.constant 0 : i32
    return %c0_i32, %arg0, %c0_i32_0 : i32, i32, i32
  }
  func.func @transform_3(%arg0: i32) -> (i32, i32, i32) {
    %c1_i32 = arith.constant 1 : i32
    %c0_i32 = arith.constant 0 : i32
    %c0_i32_0 = arith.constant 0 : i32
    return %c1_i32, %arg0, %c0_i32 : i32, i32, i32
  }
  func.func @transform_4(%arg0: i32) -> (i32, i32) {
    %c0_i32 = arith.constant 0 : i32
    %c0_i32_0 = arith.constant 0 : i32
    %c0_i32_1 = arith.constant 0 : i32
    return %c0_i32, %c0_i32_0 : i32, i32
  }
  func.func @transform_5(%arg0: i32) -> (i32, i32) {
    %c0_i32 = arith.constant 0 : i32
    %c0_i32_0 = arith.constant 0 : i32
    %c0_i32_1 = arith.constant 0 : i32
    return %c0_i32, %c0_i32_0 : i32, i32
  }
  func.func @transform_6(%arg0: i32) -> (i32, i32) {
    %c0_i32 = arith.constant 0 : i32
    %c0_i32_0 = arith.constant 0 : i32
    return %arg0, %c0_i32 : i32, i32
  }
  func.func @transform_7(%arg0: i32) -> (i32, i32) {
    %c0_i32 = arith.constant 0 : i32
    %c0_i32_0 = arith.constant 0 : i32
    return %arg0, %c0_i32 : i32, i32
  }
}

</mosaic_0001>

<sc_bundles>
// kernel: kernel.11.cloned.1.call-start
scs
__scs_entry_jumppad:
0x0: {  	(pc) =	sbr.rel $0x88, $3  }
0x1: {  	(tag) =	ssettag $0x0;
	lr =	simm.s32 $0x1  }
0x2: {  	[smem:$0x3F96] =	sst lr;
	_ =	strace $0xD0000000  }
0x3: {  	_ = 	snop  }
0x4: {  	_ = 	snop  }
0x5: {  	_ = 	snop  }
0x6: {  	_ = 	snop  }
0x7: {  	_ = 	snop  }
__scs_overlays_trampoline_lowered:
0x8: {  	[smem:$0x3FA5] =	sst s0  }
0x9: {  	[smem:$0x3FA6] =	sst s1  }
0xa: {  	[smem:$0x3FA7] =	sst s2  }
0xb: {  	[smem:$0x3FA8] =	sst s3  }
0xc: {  	[smem:$0x3FA9] =	sst s4  }
0xd: {  	[smem:$0x3FAA] =	sst s5  }
0xe: {  	[smem:$0x3FAB] =	sst s6  }
0xf: {  	[smem:$0x3FAC] =	sst s7  }
0x10: {  	[smem:$0x3FAD] =	sst s8  }
0x11: {  	[smem:$0x3FAE] =	sst s9;
	s0 =	simm.s32 @!p0 $0x0  }
0x12: {  	s1 =	sld [smem:$0x3F94];
	s0 =	simm.s32 @p0 $0x1  }
0x13: {  	[smem:$0x3FAF] =	sst s0;
	s0 =	simm.s32 @!p1 $0x0  }
0x14: {  	s2 =	sld [smem:$0x3F93];
	s0 =	simm.s32 @p1 $0x1  }
0x15: {  	[smem:$0x3FB0] =	sst s0;
	s0 =	simm.s32 @!p2 $0x0  }
0x16: {  	s3 =	sld [smem:$0x3FDB];
	s0 =	simm.s32 @p2 $0x1  }
0x17: {  	s4 =	simm.s32 $0x1BF5;
	[smem:$0x3FB2] =	sst s0  }
0x18: {  	s0 =	sld [smem:$0x3F95];
	_ =	swait.ge [sflag:s4], $0x0  }
0x19: {  	s7 =	sld [smem:$0x3F96]  }
0x1a: {  	s8 =	sadd.s32 $0xFFFFE003, lr  }
0x1b: {  	s9 =	sadd.s32 $0xFFFFFEF7, lr;
	s5 =	simm.s32 $0xFFFFFFFF;
	p2 =	slt.u32 s8, $0xFFFFF086  }
0x1c: {  	p1 =	slt.u32 s9, $0xF7A;
	s5 =	simm.s32 @!p2 $0x0  }
0x1d: {  	s5 =	simm.s32 @p1 $0x1;
	p0 =	seq.s32 s7, s2  }
0x1e: {  	s7 =	smul.u32 @!p0 $0xF7A, s2;
	p2 =	seq.s32 @!p0 s5, $0x0  }
0x1f: {  	s9 =	smul.u32 $0xF7A, s1;
	s8 =	simm.s32 @!p0 $0x1BF5;
	p2 =	por !p2, p0  }
0x20: {  	[sflag:s8] =	ssyncset.s32 @!p0 $0xFFFFF086;
	s6 =	sadd.s32 @!p0 s3, s7;
	s7 =	simm.s32 @!p0 $0x108  }
0x21: {  	s3 =	sadd.s32 s3, s9;
	s6 =	sadd.s32 @!p0 $0x88, s6;
	s7 =	simm.s32 @p2 $0x1082  }
0x22: {  	[simem:s7], [sflag:s8] =	dma.local @!p0 [hbm:s6], $0xF7A  }
0x23: {  	s9 =	sor.u32 $0xD0000000, s2;
	s6 =	simm.s32 $0x108;
	_ =	swait.ge @!p0 [sflag:s8], $0x0  }
0x24: {  	s3 =	sadd.s32 $0x88, s3;
	s6 =	simm.s32 @!p1 $0x1082;
	[sflag:s4] =	ssyncset.s32 $0xFFFFF086  }
0x25: {  	[simem:s6], [sflag:s4] =	dma.local [hbm:s3], $0xF7A  }
0x26: {  	[smem:$0x3F96] =	sst s1;
	(tag) =	ssettag s2;
	_ =	strace s9  }
0x27: {  	s1 =	sld [smem:$0x3FA6]  }
0x28: {  	s2 =	sld [smem:$0x3FA7]  }
0x29: {  	s4 =	sld [smem:$0x3FA9]  }
0x2a: {  	p0 =	seq.s32 s5, $0x0;
	s5 =	sld [smem:$0x3FAA]  }
0x2b: {  	s6 =	sld [smem:$0x3FAB]  }
0x2c: {  	s7 =	sld [smem:$0x3FAC]  }
0x2d: {  	s3 =	simm.s32 $0x108;
	s8 =	sld [smem:$0x3FAD]  }
0x2e: {  	s3 =	simm.s32 @!p0 $0x1082;
	s9 =	sld [smem:$0x3FAE]  }
0x2f: {  	lr =	sadd.s32 s0, s3;
	s0 =	sld [smem:$0x3FA5]  }
0x30: {  	s3 =	sld [smem:$0x3FA8]  }
0x31: {  	[smem:$0x3FB1] =	sst s10  }
0x32: {  	s10 =	sld [smem:$0x3FAF];
	_ =	sdelay $0x3  }
0x33: {  	p0 =	seq.s32 s10, $0x1;
	s10 =	sld [smem:$0x3FB1];
	_ =	sdelay $0x3  }
0x34: {  	[smem:$0x3FB1] =	sst s10  }
0x35: {  	s10 =	sld [smem:$0x3FB0];
	_ =	sdelay $0x3  }
0x36: {  	p1 =	seq.s32 s10, $0x1;
	s10 =	sld [smem:$0x3FB1];
	_ =	sdelay $0x3  }
0x37: {  	[smem:$0x3FB1] =	sst s10  }
0x38: {  	s10 =	sld [smem:$0x3FB2]  }
0x39: {  	_ = 	snop;
	(pc) =	sbr.ind lr, $3  }
0x3a: {  	_ = 	snop  }
0x3b: {  	_ = 	snop  }
0x3c: {  	p2 =	seq.s32 s10, $0x1;
	s10 =	sld [smem:$0x3FB1]  }
0x3d: {  	_ =	shalt  }
0x3e: {  	_ =	shalt  }
0x3f: {  	_ =	shalt  }
0x40: {  	_ =	shalt  }
0x41: {  	_ =	shalt  }
0x42: {  	_ =	shalt  }
0x43: {  	_ =	shalt  }
0x44: {  	_ =	shalt  }
0x45: {  	_ =	shalt  }
0x46: {  	_ =	shalt  }
0x47: {  	_ =	shalt  }
0x48: {  	_ =	shalt  }
0x49: {  	_ =	shalt  }
0x4a: {  	_ =	shalt  }
0x4b: {  	_ =	shalt  }
0x4c: {  	_ =	shalt  }
0x4d: {  	_ =	shalt  }
0x4e: {  	_ =	shalt  }
0x4f: {  	_ =	shalt  }
0x50: {  	_ =	shalt  }
0x51: {  	_ =	shalt  }
0x52: {  	_ =	shalt  }
0x53: {  	_ =	shalt  }
0x54: {  	_ =	shalt  }
0x55: {  	_ =	shalt  }
0x56: {  	_ =	shalt  }
0x57: {  	_ =	shalt  }
0x58: {  	_ =	shalt  }
0x59: {  	_ =	shalt  }
0x5a: {  	_ =	shalt  }
0x5b: {  	_ =	shalt  }
0x5c: {  	_ =	shalt  }
0x5d: {  	_ =	shalt  }
0x5e: {  	_ =	shalt  }
0x5f: {  	_ =	shalt  }
0x60: {  	_ =	shalt  }
0x61: {  	_ =	shalt  }
0x62: {  	_ =	shalt  }
0x63: {  	_ =	shalt  }
0x64: {  	_ =	shalt  }
0x65: {  	_ =	shalt  }
0x66: {  	_ =	shalt  }
0x67: {  	_ =	shalt  }
0x68: {  	_ =	shalt  }
0x69: {  	_ =	shalt  }
0x6a: {  	_ =	shalt  }
0x6b: {  	_ =	shalt  }
0x6c: {  	_ =	shalt  }
0x6d: {  	_ =	shalt  }
0x6e: {  	_ =	shalt  }
0x6f: {  	_ =	shalt  }
0x70: {  	_ =	shalt  }
0x71: {  	_ =	shalt  }
0x72: {  	_ =	shalt  }
0x73: {  	_ =	shalt  }
0x74: {  	_ =	shalt  }
0x75: {  	_ =	shalt  }
0x76: {  	_ =	shalt  }
0x77: {  	_ =	shalt  }
0x78: {  	_ =	shalt  }
0x79: {  	_ =	shalt  }
0x7a: {  	_ =	shalt  }
0x7b: {  	_ =	shalt  }
0x7c: {  	_ =	shalt  }
0x7d: {  	_ =	shalt  }
0x7e: {  	_ =	shalt  }
0x7f: {  	_ =	shalt  }
0x80: {  	_ =	shalt  }
0x81: {  	_ =	shalt  }
0x82: {  	_ =	shalt  }
0x83: {  	_ =	shalt  }
0x84: {  	_ =	shalt  }
0x85: {  	_ =	shalt  }
0x86: {  	_ =	shalt  }
0x87: {  	_ =	shalt  }
.Lfunc_end0:
.L_simem_size_0:
called_computation.1_lowered:
.L_overlay_start_0:
0x88: {  	s2 =	sld [smem:$0x3FD9]  }
0x89: {  	s3 =	sld [smem:$0x3FFE];
	_ =	sdelay $0x1  }
0x8a: {  	s1 =	srdreg.scid  }
0x8b: {  	s0 =	sand.u32 $0x1, s1  }
0x8c: {  	s14 =	sshll.u32 s0, $0xA;
	s2 =	sadd.s32 s3, s2  }
0x8d: {  	s2 =	sadd.s32 s2, s14  }
0x8e: {  	[smem:$0x3FBD] =	sst s2  }
0x8f: {  	_ = 	snop  }
0x90: {  	s2 =	sld [smem:$0x3FD0];
	_ =	sdelay $0x2  }
0x91: {  	s15 =	simm.s32 $0xA;
	s4 =	simm.s32 $0x10  }
0x92: {  	[smem:s4], [sflag:s15] =	dma.local [hbm:s2], $0x1  }
0x93: {  	_ =	swait.eq [sflag:s15], $0x1  }
0x94: {  	[sflag:s15] =	ssyncset.done $0x0  }
0x95: {  	s16 =	sld [smem:$0x10];
	[sflag:s15] =	ssyncadd.s32 $0xFFFFFFFF  }
0x96: {  	s17 =	sld [smem:$0x11];
	(tm) =	ssettm $0x1  }
0x97: {  	s18 =	sld [smem:$0x3FFB];
	_ =	sdelay $0x3  }
0x98: {  	_ =	strace s18  }
0x99: {  	s4 =	sld [smem:$0x3FFC];
	_ =	sdelay $0x3  }
0x9a: {  	_ =	strace s4  }
0x9b: {  	s4 =	sld [smem:$0x3FFD];
	_ =	sdelay $0x3  }
0x9c: {  	_ =	strace s4  }
0x9d: {  	_ =	strace $0x8FFFFFFF  }
0x9e: {  	s19 =	sld [smem:$0x3FDB];
	_ =	sdelay $0x1  }
0x9f: {  	s5 =	simm.s32 $_scs_section_size  }
0xa0: {  	s6 =	simm.s32 $_size__tile_overlayer_lowered;
	s7 =	simm.s32 $_tile_overlayer_lowered  }
0xa1: {  	s22 =	simm.s32 $0x1BFF;
	s21 =	sshll.u32 s7, $0x1;
	s4 =	sadd.s32 s5, s19  }
0xa2: {  	s8 =	simm.s32 $0x0;
	s20 =	sshll.u32 s6, $0x1;
	s6 =	sadd.s32 s21, s4  }
0xa3: {  	[timem:s8], [sflag:s22] =	dma.local [hbm:s6], s20  }
0xa4: {  	_ =	swait.ge [sflag:s22], s20  }
0xa5: {  	s5 =	ssub.s32 $0x0, s20;
	[sflag:s22] =	ssyncset.done $0x0  }
0xa6: {  	[sflag:s22] =	ssyncadd.s32 s5;
	_ =	sdelay $0x1  }
0xa7: {  	s23 =	simm.s32 $0x1B8B  }
0xa8: {  	_ =	swait.ge [sflag:s23], $0x1  }
0xa9: {  	[sflag:s23] =	ssyncset.done $0x0  }
0xaa: {  	s25 =	simm.s32 $0x1B8E;
	s24 =	sld [smem:$0x3FFE];
	[sflag:s23] =	ssyncadd.s32 $0xFFFFFFFF  }
0xab: {  	s26 =	simm.s32 $execute0_lowered;
	[smem:$0x3FD2] =	sst s25  }
0xac: {  	s6 =	sshll.u32 s26, $0x1;
	_ =	strace $0x80000049;
	[dreg:$0x1] =	wrdreg $0xFFFFFFFF  }
0xad: {  	s28 =	simm.s32 $_size_execute0_lowered;
	s4 =	sadd.s32 s4, s6;
	[dreg:$0x0] =	wrdreg $0x0  }
0xae: {  	s6 =	sshll.u32 s28, $0x1;
	[dreg:$0x2] =	wrdreg s4  }
0xaf: {  	[dreg:$0x3] =	wrdreg s6  }
0xb0: {  	[dreg:$0x4] =	wrdreg $0xC0  }
0xb1: {  	_ =	task [dreg:s8], $0x5FFFF  }
0xb2: {  	[dreg:$0x1] =	wrdreg $0xFFFFFFFF  }
0xb3: {  	[dreg:$0x0] =	wrdreg $0x60  }
0xb4: {  	[dreg:$0x2] =	wrdreg s24  }
0xb5: {  	[dreg:$0x3] =	wrdreg s17  }
0xb6: {  	[dreg:$0x4] =	wrdreg s16  }
0xb7: {  	[dreg:$0x5] =	wrdreg $0x98000  }
0xb8: {  	[dreg:$0x6] =	wrdreg $0x9  }
0xb9: {  	_ =	task.clear_ibuf [dreg:s8], $0x7FFFF;
	_ =	strace $0x90000049  }
0xba: {  	s29 =	simm.s32 $0x9;
	_ =	strace $0x8000004B  }
0xbb: {  	_ =	swait.ge [sflag:s29], $0x1  }
0xbc: {  	[sflag:s29] =	ssyncadd.s32 $0xFFFFFFFF  }
0xbd: {  	_ =	strace $0x9000004B  }
0xbe: {  	_ =	sfence  }
0xbf: {  	s30 =	sld [smem:$0x0];
	_ =	sdelay $0x2  }
0xc0: {  	s31 =	sshll.u32 s1, $0xD;
	s1 =	sshrl.u32 s1, $0x2  }
0xc1: {  	s3 =	sand.u32 $0x4000, s31;
	s1 =	sadd.s32 s1, s30  }
0xc2: {  	s0 =	sor.u32 s3, s0;
	s1 =	sshll.u32 s1, $0x11  }
0xc3: {  	s0 =	sor.u32 s1, s0  }
0xc4: {  	s0 =	sadd.s32 $0x8F2B, s0  }
0xc5: {  	[sflag:s0] =	ssyncadd.remote.s32 $0x1  }
0xc6: {  	_ =	sfence.sel $0xFFFF  }
0xc7: {  	[dreg:$0x0] =	wrdreg $0xFFFFFFFF;
	(pc) =	sbr.abs _section_cstart, $3  }
0xc8: {  	[dreg:$0x1] =	wrdreg $0xFFFFFFFF  }
0xc9: {  	_ =	task.clear_ibuf [dreg:s8], $0x2FFFF;
	_ =	strace $0x9FFFFFFF  }
0xca: {  	(tm) =	ssettm $0x7FFFFFFF  }
0xcb: {  	_ =	shalt  }
tec
execute0_lowered:
.L_overlay_start_1:
0x0: {  	(tag) =	ssettag $0x1  }
0x1: {  	s6 =	rddreg [dreg:$0x0]  }
0x2: {  	s7 =	rddreg [dreg:$0x1]  }
0x3: {  	s8 =	rddreg [dreg:$0x2];
	s0 =	srdreg.scid  }
0x4: {  	s2 =	rddreg [dreg:$0x3];
	s1 =	stileid.u32  }
0x5: {  	s3 =	simm.s32 $0x0;
	s14 =	simm.s32 $0x70;
	s15 =	simm.s32 $0x6000  }
0x6: {  	s9 =	sand.u32 $0x1, s0;
	s0 =	rddreg [dreg:$0x4];
	s10 =	smul.u32 $0x14000, s1  }
0x7: {  	s16 =	simm.s32 $0x0;
	[smem:$0x7FF] =	sst s3;
	s12 =	smul.u32 $0x50000, s1  }
0x8: {  	s4 =	sadd.s32 $0x4E00, s6;
	s31 =	sshll.u32 s1, $0x6;
	s5 =	smul.u32 $0x140000, s9  }
0x9: {  	_ =	strace $0x8000004A;
	s11 =	sshll.u32 s9, $0x4;
	s9 =	ssub.s32 $0x2, s9  }
0xa: {  	s11 =	sor.u32 s1, s11;
	s29 =	sshrl.u32 s9, $0x1;
	s30 =	sshrl.u32 s12, $0x2  }
0xb: {  	s10 =	sadd.s32 s10, s5;
	s5 =	sadd.s32 $0x2600, s6;
	s11 =	smul.u32 $0x600, s11  }
0xc: {  	s13 =	ssub.s32 s9, s29;
	s12 =	sadd.s32 s30, s2;
	s10 =	sshrl.u32 s10, $0x3  }
0xd: {  	s10 =	sadd.s32 s10, s6;
	s6 =	sor.u32 $0x1C01, s31;
	s7 =	sadd.s32 s7, s11  }
0xe: {  	s8 =	sadd.s32 s8, s11;
	s11 =	sshrl.u32 s12, $0x3;
	s12 =	simm.s32 $0x1  }
0xf: {  	s9 =	sadd.s32 $0x2C000, s10;
	s10 =	smax.u32 s13, $0x1;
	s13 =	simm.s32 $0x3000  }
.LBB2_1:
0x10: {  	[spmem:s11], [sflag:s6] =	dma.local [hbm:s5], $0x2800  }
0x11: {  	_ =	swait.ge [sflag:s12], $0x2800  }
0x12: {  	[sflag:s12] =	ssyncset.done $0x0  }
0x13: {  	[sflag:s12] =	ssyncadd.s32 $0xFFFFD800  }
0x14: {  	[tilespmem:s3], [sflag:$0x1] =	stream.linear.gather [hbm4b:s7+s3], $0x2D00, $0x38;
	[tilespmem:$0x1D800] =	vst v63  }
0x15: {  	_ =	swait.ge [sflag:s12], $0x2D00  }
0x16: {  	[sflag:s12] =	ssyncset.done $0x0  }
0x17: {  	[sflag:s12] =	ssyncadd.s32 $0xFFFFD300  }
0x18: {  	[tilespmem:s13], [sflag:$0x1] =	stream.linear.gather [hbm4b:s8+s3], $0x2D00, $0x38;
	[tilespmem:$0x1D800] =	vst v63  }
0x19: {  	_ =	swait.ge [sflag:s12], $0x2D00  }
0x1a: {  	[sflag:s12] =	ssyncset.done $0x0  }
0x1b: {  	[sflag:s12] =	ssyncadd.s32 $0xFFFFD300  }
0x1c: {  	s17 =	simm.s32 $0x0;
	[bflag:$0x0] =	sbarrier.arrive $0xFFFF  }
0x1d: {  	[tilespmem:s15], [sflag:$0x1] =	stream.indirect.gather [hbm4b:s4+s14], $0x80, s17, s14, $0xb8;
	[tilespmem:$0x1D800] =	vst v63  }
0x1e: {  	_ =	swait.ge [sflag:s12], $0x3800  }
0x1f: {  	[sflag:s12] =	ssyncset.done $0x0  }
0x20: {  	s31 =	simm.s32 $0x3000;
	[sflag:s12] =	ssyncadd.s32 $0xFFFFC800  }
0x21: {  	[spmem:s2] =	stream.indirect.scatter.add.f32 [tilespmem:s15], [sflag:$0x1], $0x80, s31, s14, $0xb8;
	[tilespmem:$0x1D800] =	vst v63  }
0x22: {  	_ =	swait.ge [sflag:s12], $0x3800  }
0x23: {  	s18 =	simm.s32 $0x400;
	s17 =	simm.s32 $0x200;
	[sflag:s12] =	ssyncset.done $0x0  }
.LBB2_2:
0x24: {  	s19 =	sshra.s32 s17, $0x2  }
0x25: {  	[sflag:s12] =	ssyncadd.s32 $0xFFFFC800;
	s17 =	smov.u32 s18;
	s20 =	sadd.s32 $0x200, s18  }
0x26: {  	[tilespmem:s15], [sflag:$0x1] =	stream.indirect.gather [hbm4b:s4+s14], $0x80, s19, s14, $0xb8;
	[tilespmem:$0x1D800] =	vst v63  }
0x27: {  	p0 =	sne.s32 s18, $0xB200;
	_ =	swait.ge [sflag:s12], $0x3800  }
.Ltmp0:
0x28: {  	[sflag:s12] =	ssyncset.done $0x0;
	(pc) =	sbr.rel @p0 .LBB2_2-.Ltmp0, $4  }
0x29: {  	s18 =	sadd.s32 $0x3000, s19;
	[sflag:s12] =	ssyncadd.s32 $0xFFFFC800  }
0x2a: {  	[spmem:s2] =	stream.indirect.scatter.add.f32 [tilespmem:s15], [sflag:$0x1], $0x80, s18, s14, $0xb8;
	[tilespmem:$0x1D800] =	vst v63  }
0x2b: {  	_ =	swait.ge [sflag:s12], $0x3800  }
0x2c: {  	s18 =	smov.u32 s20;
	[sflag:s12] =	ssyncset.done $0x0  }
0x2d: {  	s17 =	sshra.s32 s17, $0x2;
	[sflag:s12] =	ssyncadd.s32 $0xFFFFC800  }
0x2e: {  	[tilespmem:s15], [sflag:$0x1] =	stream.indirect.gather [hbm4b:s4+s14], $0x80, s17, s14, $0xb8;
	[tilespmem:$0x1D800] =	vst v63  }
0x2f: {  	_ =	swait.ge [sflag:s12], $0x3800  }
0x30: {  	[sflag:s12] =	ssyncset.done $0x0  }
0x31: {  	s17 =	sadd.s32 $0x3000, s17;
	[sflag:s12] =	ssyncadd.s32 $0xFFFFC800  }
0x32: {  	[spmem:s2] =	stream.indirect.scatter.add.f32 [tilespmem:s15], [sflag:$0x1], $0x80, s17, s14, $0xb8;
	[tilespmem:$0x1D800] =	vst v63  }
0x33: {  	_ =	swait.ge [sflag:s12], $0x3800  }
0x34: {  	s16 =	sadd.s32 $0x1, s16;
	[sflag:s12] =	ssyncset.done $0x0  }
0x35: {  	p0 =	sne.s32 s16, s10;
	[sflag:s12] =	ssyncadd.s32 $0xFFFFC800  }
.Ltmp1:
0x36: {  	[bflag:$0x0] =	sbarrier.arrive $0xFFFF;
	(pc) =	sbr.rel @p0 .LBB2_1-.Ltmp1, $4  }
0x37: {  	[hbm:s9], [sflag:s6] =	dma.local [spmem:s11], $0x2800  }
0x38: {  	_ =	swait.ge [sflag:s12], $0x2800  }
0x39: {  	[sflag:s12] =	ssyncset.done $0x0  }
0x3a: {  	[sflag:s12] =	ssyncadd.s32 $0xFFFFD800  }
0x3b: {  	_ =	sfence.sel $0x180000  }
0x3c: {  	[bflag:$0x0] =	sbarrier.arrive $0xFFFF  }
0x3d: {  	p0 =	sne.s32 s1, $0x0;
	_ =	strace $0x9000004A  }
0x3e: {  	s0 =	sadd.s32 @!p0 $0x100000, s0;
	[bflag:$0x2] =	sbarrier.arrive $0xFFFF  }
0x3f: {  	[sflag:s0] =	ssyncadd.tile.s32 @!p0 $0x1;
	_ =	shalt  }
.Lfunc_end2:
_tile_overlayer_lowered:
.L_overlay_start_2:
0x40: {  	(tag) =	ssettag $0x2  }
0x41: {  	s0 =	rddreg [dreg:$0x0];
	s2 =	stileid.u32  }
0x42: {  	s1 =	rddreg [dreg:$0x1];
	p0 =	sne.s32 s2, $0x0  }
0x43: {  	s3 =	rddreg [dreg:$0x2];
	[bflag:$0x3] =	sbarrier.arrive $0xFFFF;
	s2 =	simm.s32 @!p0 $0x1C01  }
0x44: {  	[timem:s3], [sflag:s2] =	dma.local @!p0 [hbm:s0], s1  }
0x45: {  	s0 =	simm.s32 @!p0 $0x1  }
0x46: {  	_ =	swait.ge @!p0 [sflag:s0], s1  }
0x47: {  	s1 =	ssub.s32 @!p0 $0x0, s1;
	[sflag:s0] =	ssyncset.done @!p0 $0x0  }
0x48: {  	[sflag:s0] =	ssyncadd.s32 @!p0 s1  }
0x49: {  	[bflag:$0x3] =	sbarrier.arrive $0xFFFF  }
0x4a: {  	_ =	shalt  }

// kernel: kernel.14.cloned.1.call-start
scs
__scs_entry_jumppad:
0x0: {  	(pc) =	sbr.rel $0x88, $3  }
0x1: {  	(tag) =	ssettag $0x0;
	lr =	simm.s32 $0x1  }
0x2: {  	[smem:$0x3F96] =	sst lr;
	_ =	strace $0xD0000000  }
0x3: {  	_ = 	snop  }
0x4: {  	_ = 	snop  }
0x5: {  	_ = 	snop  }
0x6: {  	_ = 	snop  }
0x7: {  	_ = 	snop  }
__scs_overlays_trampoline_lowered:
0x8: {  	[smem:$0x3FA5] =	sst s0  }
0x9: {  	[smem:$0x3FA6] =	sst s1  }
0xa: {  	[smem:$0x3FA7] =	sst s2  }
0xb: {  	[smem:$0x3FA8] =	sst s3  }
0xc: {  	[smem:$0x3FA9] =	sst s4  }
0xd: {  	[smem:$0x3FAA] =	sst s5  }
0xe: {  	[smem:$0x3FAB] =	sst s6  }
0xf: {  	[smem:$0x3FAC] =	sst s7  }
0x10: {  	[smem:$0x3FAD] =	sst s8  }
0x11: {  	[smem:$0x3FAE] =	sst s9;
	s0 =	simm.s32 @!p0 $0x0  }
0x12: {  	s1 =	sld [smem:$0x3F94];
	s0 =	simm.s32 @p0 $0x1  }
0x13: {  	[smem:$0x3FAF] =	sst s0;
	s0 =	simm.s32 @!p1 $0x0  }
0x14: {  	s2 =	sld [smem:$0x3F93];
	s0 =	simm.s32 @p1 $0x1  }
0x15: {  	[smem:$0x3FB0] =	sst s0;
	s0 =	simm.s32 @!p2 $0x0  }
0x16: {  	s3 =	sld [smem:$0x3FDB];
	s0 =	simm.s32 @p2 $0x1  }
0x17: {  	s4 =	simm.s32 $0x1BF5;
	[smem:$0x3FB2] =	sst s0  }
0x18: {  	s0 =	sld [smem:$0x3F95];
	_ =	swait.ge [sflag:s4], $0x0  }
0x19: {  	s7 =	sld [smem:$0x3F96]  }
0x1a: {  	s8 =	sadd.s32 $0xFFFFE003, lr  }
0x1b: {  	s9 =	sadd.s32 $0xFFFFFEF7, lr;
	s5 =	simm.s32 $0xFFFFFFFF;
	p2 =	slt.u32 s8, $0xFFFFF086  }
0x1c: {  	p1 =	slt.u32 s9, $0xF7A;
	s5 =	simm.s32 @!p2 $0x0  }
0x1d: {  	s5 =	simm.s32 @p1 $0x1;
	p0 =	seq.s32 s7, s2  }
0x1e: {  	s7 =	smul.u32 @!p0 $0xF7A, s2;
	p2 =	seq.s32 @!p0 s5, $0x0  }
0x1f: {  	s9 =	smul.u32 $0xF7A, s1;
	s8 =	simm.s32 @!p0 $0x1BF5;
	p2 =	por !p2, p0  }
0x20: {  	[sflag:s8] =	ssyncset.s32 @!p0 $0xFFFFF086;
	s6 =	sadd.s32 @!p0 s3, s7;
	s7 =	simm.s32 @!p0 $0x108  }
0x21: {  	s3 =	sadd.s32 s3, s9;
	s6 =	sadd.s32 @!p0 $0x88, s6;
	s7 =	simm.s32 @p2 $0x1082  }
0x22: {  	[simem:s7], [sflag:s8] =	dma.local @!p0 [hbm:s6], $0xF7A  }
0x23: {  	s9 =	sor.u32 $0xD0000000, s2;
	s6 =	simm.s32 $0x108;
	_ =	swait.ge @!p0 [sflag:s8], $0x0  }
0x24: {  	s3 =	sadd.s32 $0x88, s3;
	s6 =	simm.s32 @!p1 $0x1082;
	[sflag:s4] =	ssyncset.s32 $0xFFFFF086  }
0x25: {  	[simem:s6], [sflag:s4] =	dma.local [hbm:s3], $0xF7A  }
0x26: {  	[smem:$0x3F96] =	sst s1;
	(tag) =	ssettag s2;
	_ =	strace s9  }
0x27: {  	s1 =	sld [smem:$0x3FA6]  }
0x28: {  	s2 =	sld [smem:$0x3FA7]  }
0x29: {  	s4 =	sld [smem:$0x3FA9]  }
0x2a: {  	p0 =	seq.s32 s5, $0x0;
	s5 =	sld [smem:$0x3FAA]  }
0x2b: {  	s6 =	sld [smem:$0x3FAB]  }
0x2c: {  	s7 =	sld [smem:$0x3FAC]  }
0x2d: {  	s3 =	simm.s32 $0x108;
	s8 =	sld [smem:$0x3FAD]  }
0x2e: {  	s3 =	simm.s32 @!p0 $0x1082;
	s9 =	sld [smem:$0x3FAE]  }
0x2f: {  	lr =	sadd.s32 s0, s3;
	s0 =	sld [smem:$0x3FA5]  }
0x30: {  	s3 =	sld [smem:$0x3FA8]  }
0x31: {  	[smem:$0x3FB1] =	sst s10  }
0x32: {  	s10 =	sld [smem:$0x3FAF];
	_ =	sdelay $0x3  }
0x33: {  	p0 =	seq.s32 s10, $0x1;
	s10 =	sld [smem:$0x3FB1];
	_ =	sdelay $0x3  }
0x34: {  	[smem:$0x3FB1] =	sst s10  }
0x35: {  	s10 =	sld [smem:$0x3FB0];
	_ =	sdelay $0x3  }
0x36: {  	p1 =	seq.s32 s10, $0x1;
	s10 =	sld [smem:$0x3FB1];
	_ =	sdelay $0x3  }
0x37: {  	[smem:$0x3FB1] =	sst s10  }
0x38: {  	s10 =	sld [smem:$0x3FB2]  }
0x39: {  	_ = 	snop;
	(pc) =	sbr.ind lr, $3  }
0x3a: {  	_ = 	snop  }
0x3b: {  	_ = 	snop  }
0x3c: {  	p2 =	seq.s32 s10, $0x1;
	s10 =	sld [smem:$0x3FB1]  }
0x3d: {  	_ =	shalt  }
0x3e: {  	_ =	shalt  }
0x3f: {  	_ =	shalt  }
0x40: {  	_ =	shalt  }
0x41: {  	_ =	shalt  }
0x42: {  	_ =	shalt  }
0x43: {  	_ =	shalt  }
0x44: {  	_ =	shalt  }
0x45: {  	_ =	shalt  }
0x46: {  	_ =	shalt  }
0x47: {  	_ =	shalt  }
0x48: {  	_ =	shalt  }
0x49: {  	_ =	shalt  }
0x4a: {  	_ =	shalt  }
0x4b: {  	_ =	shalt  }
0x4c: {  	_ =	shalt  }
0x4d: {  	_ =	shalt  }
0x4e: {  	_ =	shalt  }
0x4f: {  	_ =	shalt  }
0x50: {  	_ =	shalt  }
0x51: {  	_ =	shalt  }
0x52: {  	_ =	shalt  }
0x53: {  	_ =	shalt  }
0x54: {  	_ =	shalt  }
0x55: {  	_ =	shalt  }
0x56: {  	_ =	shalt  }
0x57: {  	_ =	shalt  }
0x58: {  	_ =	shalt  }
0x59: {  	_ =	shalt  }
0x5a: {  	_ =	shalt  }
0x5b: {  	_ =	shalt  }
0x5c: {  	_ =	shalt  }
0x5d: {  	_ =	shalt  }
0x5e: {  	_ =	shalt  }
0x5f: {  	_ =	shalt  }
0x60: {  	_ =	shalt  }
0x61: {  	_ =	shalt  }
0x62: {  	_ =	shalt  }
0x63: {  	_ =	shalt  }
0x64: {  	_ =	shalt  }
0x65: {  	_ =	shalt  }
0x66: {  	_ =	shalt  }
0x67: {  	_ =	shalt  }
0x68: {  	_ =	shalt  }
0x69: {  	_ =	shalt  }
0x6a: {  	_ =	shalt  }
0x6b: {  	_ =	shalt  }
0x6c: {  	_ =	shalt  }
0x6d: {  	_ =	shalt  }
0x6e: {  	_ =	shalt  }
0x6f: {  	_ =	shalt  }
0x70: {  	_ =	shalt  }
0x71: {  	_ =	shalt  }
0x72: {  	_ =	shalt  }
0x73: {  	_ =	shalt  }
0x74: {  	_ =	shalt  }
0x75: {  	_ =	shalt  }
0x76: {  	_ =	shalt  }
0x77: {  	_ =	shalt  }
0x78: {  	_ =	shalt  }
0x79: {  	_ =	shalt  }
0x7a: {  	_ =	shalt  }
0x7b: {  	_ =	shalt  }
0x7c: {  	_ =	shalt  }
0x7d: {  	_ =	shalt  }
0x7e: {  	_ =	shalt  }
0x7f: {  	_ =	shalt  }
0x80: {  	_ =	shalt  }
0x81: {  	_ =	shalt  }
0x82: {  	_ =	shalt  }
0x83: {  	_ =	shalt  }
0x84: {  	_ =	shalt  }
0x85: {  	_ =	shalt  }
0x86: {  	_ =	shalt  }
0x87: {  	_ =	shalt  }
.Lfunc_end0:
.L_simem_size_0:
called_computation.2_lowered:
.L_overlay_start_0:
0x88: {  	s2 =	sld [smem:$0x3FD9]  }
0x89: {  	s3 =	sld [smem:$0x3FFE];
	_ =	sdelay $0x1  }
0x8a: {  	s1 =	srdreg.scid  }
0x8b: {  	s0 =	sand.u32 $0x1, s1  }
0x8c: {  	s14 =	sshll.u32 s0, $0xA;
	s2 =	sadd.s32 s3, s2  }
0x8d: {  	s2 =	sadd.s32 s2, s14  }
0x8e: {  	[smem:$0x3FBD] =	sst s2  }
0x8f: {  	_ = 	snop  }
0x90: {  	s2 =	sld [smem:$0x3FD0];
	_ =	sdelay $0x2  }
0x91: {  	s15 =	simm.s32 $0xA;
	s4 =	simm.s32 $0x10  }
0x92: {  	[smem:s4], [sflag:s15] =	dma.local [hbm:s2], $0x1  }
0x93: {  	_ =	swait.eq [sflag:s15], $0x1  }
0x94: {  	[sflag:s15] =	ssyncset.done $0x0  }
0x95: {  	s16 =	sld [smem:$0x10];
	[sflag:s15] =	ssyncadd.s32 $0xFFFFFFFF  }
0x96: {  	s17 =	sld [smem:$0x11];
	(tm) =	ssettm $0x1  }
0x97: {  	s18 =	sld [smem:$0x3FFB];
	_ =	sdelay $0x3  }
0x98: {  	_ =	strace s18  }
0x99: {  	s4 =	sld [smem:$0x3FFC];
	_ =	sdelay $0x3  }
0x9a: {  	_ =	strace s4  }
0x9b: {  	s4 =	sld [smem:$0x3FFD];
	_ =	sdelay $0x3  }
0x9c: {  	_ =	strace s4  }
0x9d: {  	_ =	strace $0x8FFFFFFF  }
0x9e: {  	s19 =	sld [smem:$0x3FDB];
	_ =	sdelay $0x1  }
0x9f: {  	s5 =	simm.s32 $_scs_section_size  }
0xa0: {  	s6 =	simm.s32 $_size__tile_overlayer_lowered;
	s7 =	simm.s32 $_tile_overlayer_lowered  }
0xa1: {  	s22 =	simm.s32 $0x1BFF;
	s21 =	sshll.u32 s7, $0x1;
	s4 =	sadd.s32 s5, s19  }
0xa2: {  	s8 =	simm.s32 $0x0;
	s20 =	sshll.u32 s6, $0x1;
	s6 =	sadd.s32 s21, s4  }
0xa3: {  	[timem:s8], [sflag:s22] =	dma.local [hbm:s6], s20  }
0xa4: {  	_ =	swait.ge [sflag:s22], s20  }
0xa5: {  	s5 =	ssub.s32 $0x0, s20;
	[sflag:s22] =	ssyncset.done $0x0  }
0xa6: {  	[sflag:s22] =	ssyncadd.s32 s5;
	_ =	sdelay $0x1  }
0xa7: {  	s23 =	simm.s32 $0x1B8B  }
0xa8: {  	_ =	swait.ge [sflag:s23], $0x1  }
0xa9: {  	[sflag:s23] =	ssyncset.done $0x0  }
0xaa: {  	s25 =	simm.s32 $0x1B8E;
	s24 =	sld [smem:$0x3FFE];
	[sflag:s23] =	ssyncadd.s32 $0xFFFFFFFF  }
0xab: {  	s26 =	simm.s32 $execute0_lowered;
	[smem:$0x3FD2] =	sst s25  }
0xac: {  	s6 =	sshll.u32 s26, $0x1;
	_ =	strace $0x8000004C;
	[dreg:$0x1] =	wrdreg $0xFFFFFFFF  }
0xad: {  	s28 =	simm.s32 $_size_execute0_lowered;
	s4 =	sadd.s32 s4, s6;
	[dreg:$0x0] =	wrdreg $0x0  }
0xae: {  	s6 =	sshll.u32 s28, $0x1;
	[dreg:$0x2] =	wrdreg s4  }
0xaf: {  	[dreg:$0x3] =	wrdreg s6  }
0xb0: {  	[dreg:$0x4] =	wrdreg $0xC0  }
0xb1: {  	_ =	task [dreg:s8], $0x5FFFF  }
0xb2: {  	[dreg:$0x1] =	wrdreg $0xFFFFFFFF  }
0xb3: {  	[dreg:$0x0] =	wrdreg $0x60  }
0xb4: {  	[dreg:$0x2] =	wrdreg s24  }
0xb5: {  	[dreg:$0x3] =	wrdreg s17  }
0xb6: {  	[dreg:$0x4] =	wrdreg s16  }
0xb7: {  	[dreg:$0x5] =	wrdreg $0x98000  }
0xb8: {  	[dreg:$0x6] =	wrdreg $0x9  }
0xb9: {  	_ =	task.clear_ibuf [dreg:s8], $0x7FFFF;
	_ =	strace $0x9000004C  }
0xba: {  	s29 =	simm.s32 $0x9;
	_ =	strace $0x8000004E  }
0xbb: {  	_ =	swait.ge [sflag:s29], $0x1  }
0xbc: {  	[sflag:s29] =	ssyncadd.s32 $0xFFFFFFFF  }
0xbd: {  	_ =	strace $0x9000004E  }
0xbe: {  	_ =	sfence  }
0xbf: {  	s30 =	sld [smem:$0x0];
	_ =	sdelay $0x2  }
0xc0: {  	s31 =	sshll.u32 s1, $0xD;
	s1 =	sshrl.u32 s1, $0x2  }
0xc1: {  	s3 =	sand.u32 $0x4000, s31;
	s1 =	sadd.s32 s1, s30  }
0xc2: {  	s0 =	sor.u32 s3, s0;
	s1 =	sshll.u32 s1, $0x11  }
0xc3: {  	s0 =	sor.u32 s1, s0  }
0xc4: {  	s0 =	sadd.s32 $0x8F2B, s0  }
0xc5: {  	[sflag:s0] =	ssyncadd.remote.s32 $0x1  }
0xc6: {  	_ =	sfence.sel $0xFFFF  }
0xc7: {  	[dreg:$0x0] =	wrdreg $0xFFFFFFFF;
	(pc) =	sbr.abs _section_cstart, $3  }
0xc8: {  	[dreg:$0x1] =	wrdreg $0xFFFFFFFF  }
0xc9: {  	_ =	task.clear_ibuf [dreg:s8], $0x2FFFF;
	_ =	strace $0x9FFFFFFF  }
0xca: {  	(tm) =	ssettm $0x7FFFFFFF  }
0xcb: {  	_ =	shalt  }
tec
execute0_lowered:
.L_overlay_start_1:
0x0: {  	(tag) =	ssettag $0x1  }
0x1: {  	s6 =	rddreg [dreg:$0x0]  }
0x2: {  	s7 =	rddreg [dreg:$0x1]  }
0x3: {  	s8 =	rddreg [dreg:$0x2];
	s0 =	srdreg.scid  }
0x4: {  	s2 =	rddreg [dreg:$0x3];
	s1 =	stileid.u32  }
0x5: {  	s3 =	simm.s32 $0x0;
	s14 =	simm.s32 $0x70;
	s15 =	simm.s32 $0x6000  }
0x6: {  	s9 =	sand.u32 $0x1, s0;
	s0 =	rddreg [dreg:$0x4];
	s10 =	smul.u32 $0x14000, s1  }
0x7: {  	s16 =	simm.s32 $0x0;
	[smem:$0x7FF] =	sst s3;
	s12 =	smul.u32 $0x50000, s1  }
0x8: {  	s4 =	sadd.s32 $0x4E00, s6;
	s31 =	sshll.u32 s1, $0x6;
	s5 =	smul.u32 $0x140000, s9  }
0x9: {  	_ =	strace $0x8000004D;
	s11 =	sshll.u32 s9, $0x4;
	s9 =	ssub.s32 $0x2, s9  }
0xa: {  	s11 =	sor.u32 s1, s11;
	s29 =	sshrl.u32 s9, $0x1;
	s30 =	sshrl.u32 s12, $0x2  }
0xb: {  	s10 =	sadd.s32 s10, s5;
	s5 =	sadd.s32 $0x2600, s6;
	s11 =	smul.u32 $0x600, s11  }
0xc: {  	s13 =	ssub.s32 s9, s29;
	s12 =	sadd.s32 s30, s2;
	s10 =	sshrl.u32 s10, $0x3  }
0xd: {  	s10 =	sadd.s32 s10, s6;
	s6 =	sor.u32 $0x1C01, s31;
	s7 =	sadd.s32 s7, s11  }
0xe: {  	s8 =	sadd.s32 s8, s11;
	s11 =	sshrl.u32 s12, $0x3;
	s12 =	simm.s32 $0x1  }
0xf: {  	s9 =	sadd.s32 $0x2C000, s10;
	s10 =	smax.u32 s13, $0x1;
	s13 =	simm.s32 $0x3000  }
.LBB2_1:
0x10: {  	[spmem:s11], [sflag:s6] =	dma.local [hbm:s5], $0x2800  }
0x11: {  	_ =	swait.ge [sflag:s12], $0x2800  }
0x12: {  	[sflag:s12] =	ssyncset.done $0x0  }
0x13: {  	[sflag:s12] =	ssyncadd.s32 $0xFFFFD800  }
0x14: {  	[tilespmem:s3], [sflag:$0x1] =	stream.linear.gather [hbm4b:s7+s3], $0x2D00, $0x38;
	[tilespmem:$0x1D800] =	vst v63  }
0x15: {  	_ =	swait.ge [sflag:s12], $0x2D00  }
0x16: {  	[sflag:s12] =	ssyncset.done $0x0  }
0x17: {  	[sflag:s12] =	ssyncadd.s32 $0xFFFFD300  }
0x18: {  	[tilespmem:s13], [sflag:$0x1] =	stream.linear.gather [hbm4b:s8+s3], $0x2D00, $0x38;
	[tilespmem:$0x1D800] =	vst v63  }
0x19: {  	_ =	swait.ge [sflag:s12], $0x2D00  }
0x1a: {  	[sflag:s12] =	ssyncset.done $0x0  }
0x1b: {  	[sflag:s12] =	ssyncadd.s32 $0xFFFFD300  }
0x1c: {  	s17 =	simm.s32 $0x0;
	[bflag:$0x0] =	sbarrier.arrive $0xFFFF  }
0x1d: {  	[tilespmem:s15], [sflag:$0x1] =	stream.indirect.gather [hbm4b:s4+s14], $0x80, s17, s14, $0xb8;
	[tilespmem:$0x1D800] =	vst v63  }
0x1e: {  	_ =	swait.ge [sflag:s12], $0x3800  }
0x1f: {  	[sflag:s12] =	ssyncset.done $0x0  }
0x20: {  	s31 =	simm.s32 $0x3000;
	[sflag:s12] =	ssyncadd.s32 $0xFFFFC800  }
0x21: {  	[spmem:s2] =	stream.indirect.scatter.add.f32 [tilespmem:s15], [sflag:$0x1], $0x80, s31, s14, $0xb8;
	[tilespmem:$0x1D800] =	vst v63  }
0x22: {  	_ =	swait.ge [sflag:s12], $0x3800  }
0x23: {  	s18 =	simm.s32 $0x400;
	s17 =	simm.s32 $0x200;
	[sflag:s12] =	ssyncset.done $0x0  }
.LBB2_2:
0x24: {  	s19 =	sshra.s32 s17, $0x2  }
0x25: {  	[sflag:s12] =	ssyncadd.s32 $0xFFFFC800;
	s17 =	smov.u32 s18;
	s20 =	sadd.s32 $0x200, s18  }
0x26: {  	[tilespmem:s15], [sflag:$0x1] =	stream.indirect.gather [hbm4b:s4+s14], $0x80, s19, s14, $0xb8;
	[tilespmem:$0x1D800] =	vst v63  }
0x27: {  	p0 =	sne.s32 s18, $0xB200;
	_ =	swait.ge [sflag:s12], $0x3800  }
.Ltmp0:
0x28: {  	[sflag:s12] =	ssyncset.done $0x0;
	(pc) =	sbr.rel @p0 .LBB2_2-.Ltmp0, $4  }
0x29: {  	s18 =	sadd.s32 $0x3000, s19;
	[sflag:s12] =	ssyncadd.s32 $0xFFFFC800  }
0x2a: {  	[spmem:s2] =	stream.indirect.scatter.add.f32 [tilespmem:s15], [sflag:$0x1], $0x80, s18, s14, $0xb8;
	[tilespmem:$0x1D800] =	vst v63  }
0x2b: {  	_ =	swait.ge [sflag:s12], $0x3800  }
0x2c: {  	s18 =	smov.u32 s20;
	[sflag:s12] =	ssyncset.done $0x0  }
0x2d: {  	s17 =	sshra.s32 s17, $0x2;
	[sflag:s12] =	ssyncadd.s32 $0xFFFFC800  }
0x2e: {  	[tilespmem:s15], [sflag:$0x1] =	stream.indirect.gather [hbm4b:s4+s14], $0x80, s17, s14, $0xb8;
	[tilespmem:$0x1D800] =	vst v63  }
0x2f: {  	_ =	swait.ge [sflag:s12], $0x3800  }
0x30: {  	[sflag:s12] =	ssyncset.done $0x0  }
0x31: {  	s17 =	sadd.s32 $0x3000, s17;
	[sflag:s12] =	ssyncadd.s32 $0xFFFFC800  }
0x32: {  	[spmem:s2] =	stream.indirect.scatter.add.f32 [tilespmem:s15], [sflag:$0x1], $0x80, s17, s14, $0xb8;
	[tilespmem:$0x1D800] =	vst v63  }
0x33: {  	_ =	swait.ge [sflag:s12], $0x3800  }
0x34: {  	s16 =	sadd.s32 $0x1, s16;
	[sflag:s12] =	ssyncset.done $0x0  }
0x35: {  	p0 =	sne.s32 s16, s10;
	[sflag:s12] =	ssyncadd.s32 $0xFFFFC800  }
.Ltmp1:
0x36: {  	[bflag:$0x0] =	sbarrier.arrive $0xFFFF;
	(pc) =	sbr.rel @p0 .LBB2_1-.Ltmp1, $4  }
0x37: {  	[hbm:s9], [sflag:s6] =	dma.local [spmem:s11], $0x2800  }
0x38: {  	_ =	swait.ge [sflag:s12], $0x2800  }
0x39: {  	[sflag:s12] =	ssyncset.done $0x0  }
0x3a: {  	[sflag:s12] =	ssyncadd.s32 $0xFFFFD800  }
0x3b: {  	_ =	sfence.sel $0x180000  }
0x3c: {  	[bflag:$0x0] =	sbarrier.arrive $0xFFFF  }
0x3d: {  	p0 =	sne.s32 s1, $0x0;
	_ =	strace $0x9000004D  }
0x3e: {  	s0 =	sadd.s32 @!p0 $0x100000, s0;
	[bflag:$0x2] =	sbarrier.arrive $0xFFFF  }
0x3f: {  	[sflag:s0] =	ssyncadd.tile.s32 @!p0 $0x1;
	_ =	shalt  }
.Lfunc_end2:
_tile_overlayer_lowered:
.L_overlay_start_2:
0x40: {  	(tag) =	ssettag $0x2  }
0x41: {  	s0 =	rddreg [dreg:$0x0];
	s2 =	stileid.u32  }
0x42: {  	s1 =	rddreg [dreg:$0x1];
	p0 =	sne.s32 s2, $0x0  }
0x43: {  	s3 =	rddreg [dreg:$0x2];
	[bflag:$0x3] =	sbarrier.arrive $0xFFFF;
	s2 =	simm.s32 @!p0 $0x1C01  }
0x44: {  	[timem:s3], [sflag:s2] =	dma.local @!p0 [hbm:s0], s1  }
0x45: {  	s0 =	simm.s32 @!p0 $0x1  }
0x46: {  	_ =	swait.ge @!p0 [sflag:s0], s1  }
0x47: {  	s1 =	ssub.s32 @!p0 $0x0, s1;
	[sflag:s0] =	ssyncset.done @!p0 $0x0  }
0x48: {  	[sflag:s0] =	ssyncadd.s32 @!p0 s1  }
0x49: {  	[bflag:$0x3] =	sbarrier.arrive $0xFFFF  }
0x4a: {  	_ =	shalt  }

// kernel: kernel.8.cloned.1.call-start
scs
__scs_entry_jumppad:
0x0: {  	(pc) =	sbr.rel $0x88, $3  }
0x1: {  	(tag) =	ssettag $0x0;
	lr =	simm.s32 $0x1  }
0x2: {  	[smem:$0x3F96] =	sst lr;
	_ =	strace $0xD0000000  }
0x3: {  	_ = 	snop  }
0x4: {  	_ = 	snop  }
0x5: {  	_ = 	snop  }
0x6: {  	_ = 	snop  }
0x7: {  	_ = 	snop  }
__scs_overlays_trampoline_lowered:
0x8: {  	[smem:$0x3FA5] =	sst s0  }
0x9: {  	[smem:$0x3FA6] =	sst s1  }
0xa: {  	[smem:$0x3FA7] =	sst s2  }
0xb: {  	[smem:$0x3FA8] =	sst s3  }
0xc: {  	[smem:$0x3FA9] =	sst s4  }
0xd: {  	[smem:$0x3FAA] =	sst s5  }
0xe: {  	[smem:$0x3FAB] =	sst s6  }
0xf: {  	[smem:$0x3FAC] =	sst s7  }
0x10: {  	[smem:$0x3FAD] =	sst s8  }
0x11: {  	[smem:$0x3FAE] =	sst s9;
	s0 =	simm.s32 @!p0 $0x0  }
0x12: {  	s1 =	sld [smem:$0x3F94];
	s0 =	simm.s32 @p0 $0x1  }
0x13: {  	[smem:$0x3FAF] =	sst s0;
	s0 =	simm.s32 @!p1 $0x0  }
0x14: {  	s2 =	sld [smem:$0x3F93];
	s0 =	simm.s32 @p1 $0x1  }
0x15: {  	[smem:$0x3FB0] =	sst s0;
	s0 =	simm.s32 @!p2 $0x0  }
0x16: {  	s3 =	sld [smem:$0x3FDB];
	s0 =	simm.s32 @p2 $0x1  }
0x17: {  	s4 =	simm.s32 $0x1BF5;
	[smem:$0x3FB2] =	sst s0  }
0x18: {  	s0 =	sld [smem:$0x3F95];
	_ =	swait.ge [sflag:s4], $0x0  }
0x19: {  	s7 =	sld [smem:$0x3F96]  }
0x1a: {  	s8 =	sadd.s32 $0xFFFFE003, lr  }
0x1b: {  	s9 =	sadd.s32 $0xFFFFFEF7, lr;
	s5 =	simm.s32 $0xFFFFFFFF;
	p2 =	slt.u32 s8, $0xFFFFF086  }
0x1c: {  	p1 =	slt.u32 s9, $0xF7A;
	s5 =	simm.s32 @!p2 $0x0  }
0x1d: {  	s5 =	simm.s32 @p1 $0x1;
	p0 =	seq.s32 s7, s2  }
0x1e: {  	s7 =	smul.u32 @!p0 $0xF7A, s2;
	p2 =	seq.s32 @!p0 s5, $0x0  }
0x1f: {  	s9 =	smul.u32 $0xF7A, s1;
	s8 =	simm.s32 @!p0 $0x1BF5;
	p2 =	por !p2, p0  }
0x20: {  	[sflag:s8] =	ssyncset.s32 @!p0 $0xFFFFF086;
	s6 =	sadd.s32 @!p0 s3, s7;
	s7 =	simm.s32 @!p0 $0x108  }
0x21: {  	s3 =	sadd.s32 s3, s9;
	s6 =	sadd.s32 @!p0 $0x88, s6;
	s7 =	simm.s32 @p2 $0x1082  }
0x22: {  	[simem:s7], [sflag:s8] =	dma.local @!p0 [hbm:s6], $0xF7A  }
0x23: {  	s9 =	sor.u32 $0xD0000000, s2;
	s6 =	simm.s32 $0x108;
	_ =	swait.ge @!p0 [sflag:s8], $0x0  }
0x24: {  	s3 =	sadd.s32 $0x88, s3;
	s6 =	simm.s32 @!p1 $0x1082;
	[sflag:s4] =	ssyncset.s32 $0xFFFFF086  }
0x25: {  	[simem:s6], [sflag:s4] =	dma.local [hbm:s3], $0xF7A  }
0x26: {  	[smem:$0x3F96] =	sst s1;
	(tag) =	ssettag s2;
	_ =	strace s9  }
0x27: {  	s1 =	sld [smem:$0x3FA6]  }
0x28: {  	s2 =	sld [smem:$0x3FA7]  }
0x29: {  	s4 =	sld [smem:$0x3FA9]  }
0x2a: {  	p0 =	seq.s32 s5, $0x0;
	s5 =	sld [smem:$0x3FAA]  }
0x2b: {  	s6 =	sld [smem:$0x3FAB]  }
0x2c: {  	s7 =	sld [smem:$0x3FAC]  }
0x2d: {  	s3 =	simm.s32 $0x108;
	s8 =	sld [smem:$0x3FAD]  }
0x2e: {  	s3 =	simm.s32 @!p0 $0x1082;
	s9 =	sld [smem:$0x3FAE]  }
0x2f: {  	lr =	sadd.s32 s0, s3;
	s0 =	sld [smem:$0x3FA5]  }
0x30: {  	s3 =	sld [smem:$0x3FA8]  }
0x31: {  	[smem:$0x3FB1] =	sst s10  }
0x32: {  	s10 =	sld [smem:$0x3FAF];
	_ =	sdelay $0x3  }
0x33: {  	p0 =	seq.s32 s10, $0x1;
	s10 =	sld [smem:$0x3FB1];
	_ =	sdelay $0x3  }
0x34: {  	[smem:$0x3FB1] =	sst s10  }
0x35: {  	s10 =	sld [smem:$0x3FB0];
	_ =	sdelay $0x3  }
0x36: {  	p1 =	seq.s32 s10, $0x1;
	s10 =	sld [smem:$0x3FB1];
	_ =	sdelay $0x3  }
0x37: {  	[smem:$0x3FB1] =	sst s10  }
0x38: {  	s10 =	sld [smem:$0x3FB2]  }
0x39: {  	_ = 	snop;
	(pc) =	sbr.ind lr, $3  }
0x3a: {  	_ = 	snop  }
0x3b: {  	_ = 	snop  }
0x3c: {  	p2 =	seq.s32 s10, $0x1;
	s10 =	sld [smem:$0x3FB1]  }
0x3d: {  	_ =	shalt  }
0x3e: {  	_ =	shalt  }
0x3f: {  	_ =	shalt  }
0x40: {  	_ =	shalt  }
0x41: {  	_ =	shalt  }
0x42: {  	_ =	shalt  }
0x43: {  	_ =	shalt  }
0x44: {  	_ =	shalt  }
0x45: {  	_ =	shalt  }
0x46: {  	_ =	shalt  }
0x47: {  	_ =	shalt  }
0x48: {  	_ =	shalt  }
0x49: {  	_ =	shalt  }
0x4a: {  	_ =	shalt  }
0x4b: {  	_ =	shalt  }
0x4c: {  	_ =	shalt  }
0x4d: {  	_ =	shalt  }
0x4e: {  	_ =	shalt  }
0x4f: {  	_ =	shalt  }
0x50: {  	_ =	shalt  }
0x51: {  	_ =	shalt  }
0x52: {  	_ =	shalt  }
0x53: {  	_ =	shalt  }
0x54: {  	_ =	shalt  }
0x55: {  	_ =	shalt  }
0x56: {  	_ =	shalt  }
0x57: {  	_ =	shalt  }
0x58: {  	_ =	shalt  }
0x59: {  	_ =	shalt  }
0x5a: {  	_ =	shalt  }
0x5b: {  	_ =	shalt  }
0x5c: {  	_ =	shalt  }
0x5d: {  	_ =	shalt  }
0x5e: {  	_ =	shalt  }
0x5f: {  	_ =	shalt  }
0x60: {  	_ =	shalt  }
0x61: {  	_ =	shalt  }
0x62: {  	_ =	shalt  }
0x63: {  	_ =	shalt  }
0x64: {  	_ =	shalt  }
0x65: {  	_ =	shalt  }
0x66: {  	_ =	shalt  }
0x67: {  	_ =	shalt  }
0x68: {  	_ =	shalt  }
0x69: {  	_ =	shalt  }
0x6a: {  	_ =	shalt  }
0x6b: {  	_ =	shalt  }
0x6c: {  	_ =	shalt  }
0x6d: {  	_ =	shalt  }
0x6e: {  	_ =	shalt  }
0x6f: {  	_ =	shalt  }
0x70: {  	_ =	shalt  }
0x71: {  	_ =	shalt  }
0x72: {  	_ =	shalt  }
0x73: {  	_ =	shalt  }
0x74: {  	_ =	shalt  }
0x75: {  	_ =	shalt  }
0x76: {  	_ =	shalt  }
0x77: {  	_ =	shalt  }
0x78: {  	_ =	shalt  }
0x79: {  	_ =	shalt  }
0x7a: {  	_ =	shalt  }
0x7b: {  	_ =	shalt  }
0x7c: {  	_ =	shalt  }
0x7d: {  	_ =	shalt  }
0x7e: {  	_ =	shalt  }
0x7f: {  	_ =	shalt  }
0x80: {  	_ =	shalt  }
0x81: {  	_ =	shalt  }
0x82: {  	_ =	shalt  }
0x83: {  	_ =	shalt  }
0x84: {  	_ =	shalt  }
0x85: {  	_ =	shalt  }
0x86: {  	_ =	shalt  }
0x87: {  	_ =	shalt  }
.Lfunc_end0:
.L_simem_size_0:
called_computation_lowered:
.L_overlay_start_0:
0x88: {  	s2 =	sld [smem:$0x3FD9]  }
0x89: {  	s3 =	sld [smem:$0x3FFE];
	_ =	sdelay $0x1  }
0x8a: {  	s1 =	srdreg.scid  }
0x8b: {  	s0 =	sand.u32 $0x1, s1  }
0x8c: {  	s14 =	sshll.u32 s0, $0xA;
	s2 =	sadd.s32 s3, s2  }
0x8d: {  	s2 =	sadd.s32 s2, s14  }
0x8e: {  	[smem:$0x3FBD] =	sst s2  }
0x8f: {  	_ = 	snop  }
0x90: {  	s2 =	sld [smem:$0x3FD0];
	_ =	sdelay $0x2  }
0x91: {  	s4 =	simm.s32 $0xA;
	s5 =	simm.s32 $0x10;
	s15 =	sld [smem:$0x3FC9]  }
0x92: {  	[smem:s5], [sflag:s4] =	dma.local [hbm:s2], $0x1  }
0x93: {  	_ =	swait.eq [sflag:s4], $0x1  }
0x94: {  	[sflag:s4] =	ssyncset.done $0x0  }
0x95: {  	s16 =	sld [smem:$0x10];
	[sflag:s4] =	ssyncadd.s32 $0xFFFFFFFF  }
0x96: {  	s17 =	sld [smem:$0x11];
	(tm) =	ssettm $0x1  }
0x97: {  	s18 =	sld [smem:$0x3FFB];
	_ =	sdelay $0x3  }
0x98: {  	_ =	strace s18  }
0x99: {  	s5 =	sld [smem:$0x3FFC];
	_ =	sdelay $0x3  }
0x9a: {  	_ =	strace s5  }
0x9b: {  	s5 =	sld [smem:$0x3FFD];
	_ =	sdelay $0x3  }
0x9c: {  	_ =	strace s5  }
0x9d: {  	_ =	strace $0x8FFFFFFF  }
0x9e: {  	s19 =	sld [smem:$0x3FDB];
	_ =	sdelay $0x1  }
0x9f: {  	s6 =	simm.s32 $_scs_section_size  }
0xa0: {  	s7 =	simm.s32 $_size__tile_overlayer_lowered;
	s8 =	simm.s32 $_tile_overlayer_lowered  }
0xa1: {  	s22 =	simm.s32 $0x1BFF;
	s21 =	sshll.u32 s8, $0x1;
	s5 =	sadd.s32 s6, s19  }
0xa2: {  	s9 =	simm.s32 $0x0;
	s20 =	sshll.u32 s7, $0x1;
	s7 =	sadd.s32 s21, s5  }
0xa3: {  	[timem:s9], [sflag:s22] =	dma.local [hbm:s7], s20  }
0xa4: {  	_ =	swait.ge [sflag:s22], s20  }
0xa5: {  	s6 =	ssub.s32 $0x0, s20;
	[sflag:s22] =	ssyncset.done $0x0  }
0xa6: {  	[sflag:s22] =	ssyncadd.s32 s6;
	_ =	sdelay $0x1  }
0xa7: {  	s23 =	simm.s32 $0x1B8B  }
0xa8: {  	_ =	swait.ge [sflag:s23], $0x1  }
0xa9: {  	[sflag:s23] =	ssyncset.done $0x0  }
0xaa: {  	s25 =	simm.s32 $0x1B8E;
	s24 =	sld [smem:$0x3FFE];
	[sflag:s23] =	ssyncadd.s32 $0xFFFFFFFF  }
0xab: {  	s26 =	simm.s32 $execute0_lowered;
	[smem:$0x3FD2] =	sst s25  }
0xac: {  	s7 =	sshll.u32 s26, $0x1;
	_ =	strace $0x80000046;
	[dreg:$0x1] =	wrdreg $0xFFFFFFFF  }
0xad: {  	s28 =	simm.s32 $_size_execute0_lowered;
	s5 =	sadd.s32 s5, s7;
	[dreg:$0x0] =	wrdreg $0x0  }
0xae: {  	s7 =	sshll.u32 s28, $0x1;
	[dreg:$0x2] =	wrdreg s5  }
0xaf: {  	[dreg:$0x3] =	wrdreg s7  }
0xb0: {  	[dreg:$0x4] =	wrdreg $0xC0  }
0xb1: {  	_ =	task [dreg:s9], $0x5FFFF  }
0xb2: {  	[dreg:$0x1] =	wrdreg $0xFFFFFFFF  }
0xb3: {  	[dreg:$0x0] =	wrdreg $0x60  }
0xb4: {  	[dreg:$0x2] =	wrdreg s15  }
0xb5: {  	[dreg:$0x3] =	wrdreg s17  }
0xb6: {  	[dreg:$0x4] =	wrdreg s16  }
0xb7: {  	[dreg:$0x5] =	wrdreg s24  }
0xb8: {  	[dreg:$0x6] =	wrdreg $0x98000  }
0xb9: {  	[dreg:$0x7] =	wrdreg $0x9  }
0xba: {  	_ =	task.clear_ibuf [dreg:s9], $0x8FFFF;
	_ =	strace $0x90000046  }
0xbb: {  	s29 =	simm.s32 $0x9;
	_ =	strace $0x80000048  }
0xbc: {  	_ =	swait.ge [sflag:s29], $0x1  }
0xbd: {  	[sflag:s29] =	ssyncadd.s32 $0xFFFFFFFF  }
0xbe: {  	_ =	strace $0x90000048  }
0xbf: {  	_ =	sfence  }
0xc0: {  	s30 =	sld [smem:$0x0];
	_ =	sdelay $0x2  }
0xc1: {  	s31 =	sshll.u32 s1, $0xD;
	s1 =	sshrl.u32 s1, $0x2  }
0xc2: {  	s3 =	sand.u32 $0x4000, s31;
	s1 =	sadd.s32 s1, s30  }
0xc3: {  	s0 =	sor.u32 s3, s0;
	s1 =	sshll.u32 s1, $0x11  }
0xc4: {  	s0 =	sor.u32 s1, s0  }
0xc5: {  	s0 =	sadd.s32 $0x8F2B, s0  }
0xc6: {  	[sflag:s0] =	ssyncadd.remote.s32 $0x1  }
0xc7: {  	_ =	sfence.sel $0xFFFF  }
0xc8: {  	[dreg:$0x0] =	wrdreg $0xFFFFFFFF;
	(pc) =	sbr.abs _section_cstart, $3  }
0xc9: {  	[dreg:$0x1] =	wrdreg $0xFFFFFFFF  }
0xca: {  	_ =	task.clear_ibuf [dreg:s9], $0x2FFFF;
	_ =	strace $0x9FFFFFFF  }
0xcb: {  	(tm) =	ssettm $0x7FFFFFFF  }
tec
execute0_lowered:
.L_overlay_start_1:
0x0: {  	(tag) =	ssettag $0x1  }
0x1: {  	s0 =	rddreg [dreg:$0x0]  }
0x2: {  	s7 =	rddreg [dreg:$0x1]  }
0x3: {  	s8 =	rddreg [dreg:$0x2]  }
0x4: {  	s6 =	rddreg [dreg:$0x3]  }
0x5: {  	s1 =	srdreg.scid;
	s3 =	rddreg [dreg:$0x4]  }
0x6: {  	s2 =	stileid.u32;
	s4 =	simm.s32 $0x0;
	s14 =	simm.s32 $0x70  }
0x7: {  	s15 =	simm.s32 $0x6000;
	s16 =	simm.s32 $0x0;
	s10 =	smul.u32 $0x14000, s2  }
0x8: {  	s9 =	sand.u32 $0x1, s1;
	s1 =	rddreg [dreg:$0x5];
	s12 =	smul.u32 $0x50000, s2  }
0x9: {  	[smem:$0x7FF] =	sst s4;
	s31 =	sshll.u32 s2, $0x6;
	s5 =	smul.u32 $0x140000, s9  }
0xa: {  	_ =	strace $0x80000047;
	s11 =	sshll.u32 s9, $0x4;
	s9 =	ssub.s32 $0x2, s9  }
0xb: {  	s11 =	sor.u32 s2, s11;
	s29 =	sshrl.u32 s9, $0x1;
	s30 =	sshrl.u32 s12, $0x2  }
0xc: {  	s10 =	sadd.s32 s10, s5;
	s5 =	sadd.s32 $0x2600, s6;
	s11 =	smul.u32 $0x600, s11  }
0xd: {  	s13 =	ssub.s32 s9, s29;
	s12 =	sadd.s32 s30, s3;
	s10 =	sshrl.u32 s10, $0x3  }
0xe: {  	s10 =	sadd.s32 s10, s6;
	s6 =	sor.u32 $0x1C01, s31;
	s7 =	sadd.s32 s7, s11  }
0xf: {  	s8 =	sadd.s32 s8, s11;
	s11 =	sshrl.u32 s12, $0x3;
	s12 =	simm.s32 $0x1  }
0x10: {  	s9 =	sadd.s32 $0x4E00, s10;
	s10 =	smax.u32 s13, $0x1;
	s13 =	simm.s32 $0x3000  }
.LBB2_1:
0x11: {  	[spmem:s11], [sflag:s6] =	dma.local [hbm:s5], $0x2800  }
0x12: {  	_ =	swait.ge [sflag:s12], $0x2800  }
0x13: {  	[sflag:s12] =	ssyncset.done $0x0  }
0x14: {  	[sflag:s12] =	ssyncadd.s32 $0xFFFFD800  }
0x15: {  	[tilespmem:s4], [sflag:$0x1] =	stream.linear.gather [hbm4b:s7+s4], $0x2D00, $0x38;
	[tilespmem:$0x1D800] =	vst v63  }
0x16: {  	_ =	swait.ge [sflag:s12], $0x2D00  }
0x17: {  	[sflag:s12] =	ssyncset.done $0x0  }
0x18: {  	[sflag:s12] =	ssyncadd.s32 $0xFFFFD300  }
0x19: {  	[tilespmem:s13], [sflag:$0x1] =	stream.linear.gather [hbm4b:s8+s4], $0x2D00, $0x38;
	[tilespmem:$0x1D800] =	vst v63  }
0x1a: {  	_ =	swait.ge [sflag:s12], $0x2D00  }
0x1b: {  	[sflag:s12] =	ssyncset.done $0x0  }
0x1c: {  	[sflag:s12] =	ssyncadd.s32 $0xFFFFD300  }
0x1d: {  	s17 =	simm.s32 $0x0;
	[bflag:$0x0] =	sbarrier.arrive $0xFFFF  }
0x1e: {  	[tilespmem:s15], [sflag:$0x1] =	stream.indirect.gather [hbm4b:s0+s14], $0x80, s17, s14, $0xb8;
	[tilespmem:$0x1D800] =	vst v63  }
0x1f: {  	_ =	swait.ge [sflag:s12], $0x3800  }
0x20: {  	[sflag:s12] =	ssyncset.done $0x0  }
0x21: {  	s31 =	simm.s32 $0x3000;
	[sflag:s12] =	ssyncadd.s32 $0xFFFFC800  }
0x22: {  	[spmem:s3] =	stream.indirect.scatter.add.f32 [tilespmem:s15], [sflag:$0x1], $0x80, s31, s14, $0xb8;
	[tilespmem:$0x1D800] =	vst v63  }
0x23: {  	_ =	swait.ge [sflag:s12], $0x3800  }
0x24: {  	s18 =	simm.s32 $0x400;
	s17 =	simm.s32 $0x200;
	[sflag:s12] =	ssyncset.done $0x0  }
.LBB2_2:
0x25: {  	s19 =	sshra.s32 s17, $0x2  }
0x26: {  	[sflag:s12] =	ssyncadd.s32 $0xFFFFC800;
	s17 =	smov.u32 s18;
	s20 =	sadd.s32 $0x200, s18  }
0x27: {  	[tilespmem:s15], [sflag:$0x1] =	stream.indirect.gather [hbm4b:s0+s14], $0x80, s19, s14, $0xb8;
	[tilespmem:$0x1D800] =	vst v63  }
0x28: {  	p0 =	sne.s32 s18, $0xB200;
	_ =	swait.ge [sflag:s12], $0x3800  }
.Ltmp0:
0x29: {  	[sflag:s12] =	ssyncset.done $0x0;
	(pc) =	sbr.rel @p0 .LBB2_2-.Ltmp0, $4  }
0x2a: {  	s18 =	sadd.s32 $0x3000, s19;
	[sflag:s12] =	ssyncadd.s32 $0xFFFFC800  }
0x2b: {  	[spmem:s3] =	stream.indirect.scatter.add.f32 [tilespmem:s15], [sflag:$0x1], $0x80, s18, s14, $0xb8;
	[tilespmem:$0x1D800] =	vst v63  }
0x2c: {  	_ =	swait.ge [sflag:s12], $0x3800  }
0x2d: {  	s18 =	smov.u32 s20;
	[sflag:s12] =	ssyncset.done $0x0  }
0x2e: {  	s17 =	sshra.s32 s17, $0x2;
	[sflag:s12] =	ssyncadd.s32 $0xFFFFC800  }
0x2f: {  	[tilespmem:s15], [sflag:$0x1] =	stream.indirect.gather [hbm4b:s0+s14], $0x80, s17, s14, $0xb8;
	[tilespmem:$0x1D800] =	vst v63  }
0x30: {  	_ =	swait.ge [sflag:s12], $0x3800  }
0x31: {  	[sflag:s12] =	ssyncset.done $0x0  }
0x32: {  	s17 =	sadd.s32 $0x3000, s17;
	[sflag:s12] =	ssyncadd.s32 $0xFFFFC800  }
0x33: {  	[spmem:s3] =	stream.indirect.scatter.add.f32 [tilespmem:s15], [sflag:$0x1], $0x80, s17, s14, $0xb8;
	[tilespmem:$0x1D800] =	vst v63  }
0x34: {  	_ =	swait.ge [sflag:s12], $0x3800  }
0x35: {  	s16 =	sadd.s32 $0x1, s16;
	[sflag:s12] =	ssyncset.done $0x0  }
0x36: {  	p0 =	sne.s32 s16, s10;
	[sflag:s12] =	ssyncadd.s32 $0xFFFFC800  }
.Ltmp1:
0x37: {  	[bflag:$0x0] =	sbarrier.arrive $0xFFFF;
	(pc) =	sbr.rel @p0 .LBB2_1-.Ltmp1, $4  }
0x38: {  	[hbm:s9], [sflag:s6] =	dma.local [spmem:s11], $0x2800  }
0x39: {  	_ =	swait.ge [sflag:s12], $0x2800  }
0x3a: {  	[sflag:s12] =	ssyncset.done $0x0  }
0x3b: {  	[sflag:s12] =	ssyncadd.s32 $0xFFFFD800  }
0x3c: {  	_ =	sfence.sel $0x180000  }
0x3d: {  	[bflag:$0x0] =	sbarrier.arrive $0xFFFF  }
0x3e: {  	p0 =	sne.s32 s2, $0x0;
	_ =	strace $0x90000047  }
0x3f: {  	s0 =	sadd.s32 @!p0 $0x100000, s1;
	[bflag:$0x2] =	sbarrier.arrive $0xFFFF  }
0x40: {  	[sflag:s0] =	ssyncadd.tile.s32 @!p0 $0x1;
	_ =	shalt  }
.Lfunc_end2:
_tile_overlayer_lowered:
.L_overlay_start_2:
0x41: {  	(tag) =	ssettag $0x2  }
0x42: {  	s0 =	rddreg [dreg:$0x0];
	s2 =	stileid.u32  }
0x43: {  	s1 =	rddreg [dreg:$0x1];
	p0 =	sne.s32 s2, $0x0  }
0x44: {  	s3 =	rddreg [dreg:$0x2];
	[bflag:$0x3] =	sbarrier.arrive $0xFFFF;
	s2 =	simm.s32 @!p0 $0x1C01  }
0x45: {  	[timem:s3], [sflag:s2] =	dma.local @!p0 [hbm:s0], s1  }
0x46: {  	s0 =	simm.s32 @!p0 $0x1  }
0x47: {  	_ =	swait.ge @!p0 [sflag:s0], s1  }
0x48: {  	s1 =	ssub.s32 @!p0 $0x0, s1;
	[sflag:s0] =	ssyncset.done @!p0 $0x0  }
0x49: {  	[sflag:s0] =	ssyncadd.s32 @!p0 s1  }
0x4a: {  	[bflag:$0x3] =	sbarrier.arrive $0xFFFF  }
0x4b: {  	_ =	shalt  }

</sc_bundles>
